<compile_context>
chip_gen: v7x
topology: tpu7x:2x2x1
jax: 0.10.2.dev20260603
libtpu: 0.0.44.dev20260713+nightly
codegen_flags: <defaults>
</compile_context>

<pallas_src>
import functools

import jax
import jax.numpy as jnp
from jax import lax
from jax.experimental import pallas as pl
from jax.experimental.pallas import tpu as pltpu
from jax.experimental.pallas import tpu_sc as plsc

H = 64
LANES = 16
NC, NS = 2, 16
NW = NC * NS
CHUNK = 1024


def _proj_table_kernel(emb_ref, w1_ref, b_ref, p_ref):
    p_ref[...] = (
        lax.dot_general(
            emb_ref[...], w1_ref[...],
            (((1,), (1,)), ((), ())),
            preferred_element_type=jnp.float32,
        )
        + b_ref[...]
    )


def _sc_body(p_hbm, wij_hbm, ids_hbm, pi_hbm, pj_hbm, out_hbm,
             p_v, wij_v, ids_v, pi_v, pj_v, rows_v, *, tpw):
    wid = lax.axis_index("s") * NC + lax.axis_index("c")
    base = wid * tpw

    pltpu.sync_copy(p_hbm, p_v)
    pltpu.sync_copy(wij_hbm, wij_v)

    wi = [wij_v[0, pl.ds(fc * LANES, LANES)] for fc in range(H // LANES)]
    wj = [wij_v[1, pl.ds(fc * LANES, LANES)] for fc in range(H // LANES)]
    cols = [lax.iota(jnp.int32, LANES) + fc * LANES for fc in range(H // LANES)]

    def chunk_body(ci, _):
        tb = base + ci * CHUNK
        pltpu.sync_copy(ids_hbm.at[pl.ds(tb, CHUNK)], ids_v)
        pltpu.sync_copy(pi_hbm.at[pl.ds(tb, CHUNK)], pi_v)
        pltpu.sync_copy(pj_hbm.at[pl.ds(tb, CHUNK)], pj_v)

        def tok_body(t, _):
            tvec = jnp.full((LANES,), t, jnp.int32)
            idsp = plsc.load_gather(ids_v, [tvec])
            pisp = plsc.load_gather(pi_v, [tvec])
            pjsp = plsc.load_gather(pj_v, [tvec])
            for fc in range(H // LANES):
                g = plsc.load_gather(p_v, [idsp, cols[fc]])
                rows_v[pl.ds(t * H + fc * LANES, LANES)] = (
                    g + pisp * wi[fc] + pjsp * wj[fc]
                )
            return 0

        lax.fori_loop(0, CHUNK, tok_body, 0, unroll=4)
        pltpu.sync_copy(rows_v, out_hbm.at[pl.ds(tb * H, CHUNK * H)])
        return 0

    lax.fori_loop(0, tpw // CHUNK, chunk_body, 0)


def kernel(input_ids, pos_i, pos_j, emb_table, W, b):
    B, L = input_ids.shape
    N = B * L
    assert N % (NW * CHUNK) == 0
    tpw = N // NW

    ids = input_ids.reshape(-1).astype(jnp.int32)
    pi = pos_i.reshape(-1)
    pj = pos_j.reshape(-1)

    vocab = emb_table.shape[0]
    emb_pad = jnp.pad(emb_table, ((0, 16 - vocab), (0, 0)))
    w1 = W[:, :H]
    wij = W[:, H:H + 2].T
    p_tab = pl.pallas_call(
        _proj_table_kernel,
        out_shape=jax.ShapeDtypeStruct((16, H), jnp.float32),
    )(emb_pad, w1, b.reshape(1, H))

    mesh = plsc.VectorSubcoreMesh(
        core_axis_name="c", subcore_axis_name="s",
        num_cores=NC, num_subcores=NS,
    )
    sc = pl.kernel(
        functools.partial(_sc_body, tpw=tpw),
        out_type=jax.ShapeDtypeStruct((N * H,), jnp.float32),
        mesh=mesh,
        scratch_types=[
            pltpu.VMEM((16, H), jnp.float32),
            pltpu.VMEM((2, H), jnp.float32),
            pltpu.VMEM((CHUNK,), jnp.int32),
            pltpu.VMEM((CHUNK,), jnp.float32),
            pltpu.VMEM((CHUNK,), jnp.float32),
            pltpu.VMEM((CHUNK * H,), jnp.float32),
        ],
        compiler_params=pltpu.CompilerParams(needs_layout_passes=False),
    )
    out_flat = sc(p_tab, wij, ids, pi, pj)
    return out_flat.reshape(B, L, H)

# --- scband reference (transcript-rebuilt; emitter-appended) ---
"""Pipeline reference for scband-scoring-embedding-84198538871080 (READ-ONLY COPY).

The authoritative reference and input builder live on the scoring server;
editing this copy changes nothing except your own understanding.
"""

import jax, jax.numpy as jnp
import numpy as np

B, L, H = 4096, 200, 64
VOCAB = 6 + 4 + 2  # vocab_states_size + vocab_actions_size + 2

def setup_inputs(seed: int = 0) -> dict:
    key = jax.random.key(seed)
    k1, k2, k3, k4, k5, k6 = jax.random.split(key, 6)
    input_ids = jax.random.randint(k1, (B, L), 0, VOCAB, dtype=jnp.int64 if jax.config.jax_enable_x64 else jnp.int32)
    pos_i = jax.random.uniform(k2, (B, L), dtype=jnp.float32)
    pos_j = jax.random.uniform(k3, (B, L), dtype=jnp.float32)
    emb_table = jax.random.normal(k4, (VOCAB, H), dtype=jnp.float32)
    # nn.Linear(in_features=H+2, out_features=H): weight [H, H+2], bias [H]
    W = jax.random.normal(k5, (H, H + 2), dtype=jnp.float32) * (1.0 / np.sqrt(H + 2))
    b = jax.random.normal(k6, (H,), dtype=jnp.float32) * 0.01
    return {"input_ids": input_ids, "pos_i": pos_i, "pos_j": pos_j, "emb_table": emb_table, "W": W, "b": b}

def reference(input_ids, pos_i, pos_j, emb_table, W, b):
    # batch['input_ids'].flatten(1) -> already [B, L]
    token_embeddings = jnp.take(emb_table, input_ids, axis=0)  # [B, L, H]
    embeddings = jnp.concatenate([token_embeddings, pos_i[..., None], pos_j[..., None]], axis=-1)  # [B, L, H+2]
    out_embedding = jnp.einsum('blc,hc->blh', embeddings, W) + b  # Linear: x @ W.T + b
    return out_embedding

if __name__ == "__main__":
    import jax
    _d = setup_inputs()
    print(jax.jit(kernel)(*tuple(_d.values())))

</pallas_src>

<mosaic_0001>
#map = affine_map<(d0, d1) -> (0, 0)>
#map1 = affine_map<(d0, d1) -> (0)>
module attributes {stable_mosaic.version = 14 : i64} {
  func.func @_sc_body(%arg0: i32, %arg1: i32, %arg2: memref<16x64xf32, #tpu.memory_space<hbm>>, %arg3: memref<2x64xf32, #tpu.memory_space<hbm>>, %arg4: memref<819200xi32, #tpu.memory_space<hbm>>, %arg5: memref<819200xf32, #tpu.memory_space<hbm>>, %arg6: memref<819200xf32, #tpu.memory_space<hbm>>, %arg7: memref<52428800xf32, #tpu.memory_space<hbm>>, %arg8: memref<16x64xf32, #tpu.memory_space<vmem>>, %arg9: memref<2x64xf32, #tpu.memory_space<vmem>>, %arg10: memref<1024xi32, #tpu.memory_space<vmem>>, %arg11: memref<1024xf32, #tpu.memory_space<vmem>>, %arg12: memref<1024xf32, #tpu.memory_space<vmem>>, %arg13: memref<65536xf32, #tpu.memory_space<vmem>>) attributes {dimension_semantics = [#tpu.dimension_semantics<core_parallel>, #tpu.dimension_semantics<subcore_parallel>], iteration_bounds = array<i64: 2, 16>, scalar_prefetch = 0 : i64, scratch_operands = 6 : i64, tpu.core_type = #tpu.core_type<sc_vector_subcore>, window_params = [{transform_indices = #map}, {transform_indices = #map}, {transform_indices = #map1}, {transform_indices = #map1}, {transform_indices = #map1}, {transform_indices = #map1}]} {
    %mul3A = arith.constant 2 : i32
    %mul3A_0 = arith.muli %arg1, %mul3A : i32
    %add3A = arith.addi %mul3A_0, %arg0 : i32
    %mul3A_1 = arith.constant 25600 : i32
    %mul3A_2 = arith.muli %add3A, %mul3A_1 : i32
    "tpu.region"() ({
      %run_scoped3A = tpu.sem_alloc : memref<!tpu.dma_semaphore, #tpu.memory_space<semaphore_mem>>
      tpu.enqueue_dma source(%arg2 : memref<16x64xf32, #tpu.memory_space<hbm>>) target(%arg8 : memref<16x64xf32, #tpu.memory_space<vmem>>) target_semaphore(%run_scoped3A : memref<!tpu.dma_semaphore, #tpu.memory_space<semaphore_mem>>)
      tpu.wait_dma2 semaphore(%run_scoped3A : memref<!tpu.dma_semaphore, #tpu.memory_space<semaphore_mem>>) src(%arg2 : memref<16x64xf32, #tpu.memory_space<hbm>>) dst(%arg8 : memref<16x64xf32, #tpu.memory_space<vmem>>)
      tpu.yield
    }) : () -> ()
    "tpu.region"() ({
      %run_scoped3A = tpu.sem_alloc : memref<!tpu.dma_semaphore, #tpu.memory_space<semaphore_mem>>
      tpu.enqueue_dma source(%arg3 : memref<2x64xf32, #tpu.memory_space<hbm>>) target(%arg9 : memref<2x64xf32, #tpu.memory_space<vmem>>) target_semaphore(%run_scoped3A : memref<!tpu.dma_semaphore, #tpu.memory_space<semaphore_mem>>)
      tpu.wait_dma2 semaphore(%run_scoped3A : memref<!tpu.dma_semaphore, #tpu.memory_space<semaphore_mem>>) src(%arg3 : memref<2x64xf32, #tpu.memory_space<hbm>>) dst(%arg9 : memref<2x64xf32, #tpu.memory_space<vmem>>)
      tpu.yield
    }) : () -> ()
    %get3A = arith.constant 0 : i32
    %get3A_3 = arith.index_cast %get3A : i32 to index
    %get3A_4 = arith.constant 0 : index
    %get3A_5 = tpu.vector_load %arg9[%get3A_3, %get3A_4] {strides = array<i32>} : memref<2x64xf32, #tpu.memory_space<vmem>>, vector<16xf32>,
    %get3A_6 = arith.constant 0 : i32
    %get3A_7 = arith.index_cast %get3A_6 : i32 to index
    %get3A_8 = arith.constant 16 : index
    %get3A_9 = tpu.vector_load %arg9[%get3A_7, %get3A_8] {strides = array<i32>} : memref<2x64xf32, #tpu.memory_space<vmem>>, vector<16xf32>,
    %get3A_10 = arith.constant 0 : i32
    %get3A_11 = arith.index_cast %get3A_10 : i32 to index
    %get3A_12 = arith.constant 32 : index
    %get3A_13 = tpu.vector_load %arg9[%get3A_11, %get3A_12] {strides = array<i32>} : memref<2x64xf32, #tpu.memory_space<vmem>>, vector<16xf32>,
    %get3A_14 = arith.constant 0 : i32
    %get3A_15 = arith.index_cast %get3A_14 : i32 to index
    %get3A_16 = arith.constant 48 : index
    %get3A_17 = tpu.vector_load %arg9[%get3A_15, %get3A_16] {strides = array<i32>} : memref<2x64xf32, #tpu.memory_space<vmem>>, vector<16xf32>,
    %get3A_18 = arith.constant 1 : i32
    %get3A_19 = arith.index_cast %get3A_18 : i32 to index
    %get3A_20 = arith.constant 0 : index
    %get3A_21 = tpu.vector_load %arg9[%get3A_19, %get3A_20] {strides = array<i32>} : memref<2x64xf32, #tpu.memory_space<vmem>>, vector<16xf32>,
    %get3A_22 = arith.constant 1 : i32
    %get3A_23 = arith.index_cast %get3A_22 : i32 to index
    %get3A_24 = arith.constant 16 : index
    %get3A_25 = tpu.vector_load %arg9[%get3A_23, %get3A_24] {strides = array<i32>} : memref<2x64xf32, #tpu.memory_space<vmem>>, vector<16xf32>,
    %get3A_26 = arith.constant 1 : i32
    %get3A_27 = arith.index_cast %get3A_26 : i32 to index
    %get3A_28 = arith.constant 32 : index
    %get3A_29 = tpu.vector_load %arg9[%get3A_27, %get3A_28] {strides = array<i32>} : memref<2x64xf32, #tpu.memory_space<vmem>>, vector<16xf32>,
    %get3A_30 = arith.constant 1 : i32
    %get3A_31 = arith.index_cast %get3A_30 : i32 to index
    %get3A_32 = arith.constant 48 : index
    %get3A_33 = tpu.vector_load %arg9[%get3A_31, %get3A_32] {strides = array<i32>} : memref<2x64xf32, #tpu.memory_space<vmem>>, vector<16xf32>,
    %iota3A = tpu.iota {dimensions = array<i32: 0>} : vector<16xi32>
    %add3A_34 = arith.constant 0 : i32
    %add3A_35 = vector.broadcast %add3A_34 : i32 to vector<16xi32>
    %add3A_36 = arith.addi %iota3A, %add3A_35 : vector<16xi32>
    %iota3A_37 = tpu.iota {dimensions = array<i32: 0>} : vector<16xi32>
    %add3A_38 = arith.constant 16 : i32
    %add3A_39 = vector.broadcast %add3A_38 : i32 to vector<16xi32>
    %add3A_40 = arith.addi %iota3A_37, %add3A_39 : vector<16xi32>
    %iota3A_41 = tpu.iota {dimensions = array<i32: 0>} : vector<16xi32>
    %add3A_42 = arith.constant 32 : i32
    %add3A_43 = vector.broadcast %add3A_42 : i32 to vector<16xi32>
    %add3A_44 = arith.addi %iota3A_41, %add3A_43 : vector<16xi32>
    %iota3A_45 = tpu.iota {dimensions = array<i32: 0>} : vector<16xi32>
    %add3A_46 = arith.constant 48 : i32
    %add3A_47 = vector.broadcast %add3A_46 : i32 to vector<16xi32>
    %add3A_48 = arith.addi %iota3A_45, %add3A_47 : vector<16xi32>
    %scan3A = arith.constant 0 : i32
    %scan3A_49 = arith.constant 0 : i32
    %scan3A_50 = arith.constant 25 : i32
    %scan3A_51 = arith.addi %scan3A_49, %scan3A_50 : i32
    %scan3A_52 = arith.constant 1 : i32
    %scan3A_53 = scf.for %scan3A_55 = %scan3A_49 to %scan3A_51 step %scan3A_52 iter_args(%scan3A_56 = %scan3A) -> (i32)  : i32 {
      %mul3A_57 = arith.constant 1024 : i32
      %mul3A_58 = arith.muli %scan3A_55, %mul3A_57 : i32
      %add3A_59 = arith.addi %mul3A_2, %mul3A_58 : i32
      "tpu.region"() ({
        %run_scoped3A = tpu.sem_alloc : memref<!tpu.dma_semaphore, #tpu.memory_space<semaphore_mem>>
        %dma_start3A = tpu.memref_slice %arg4[%add3A_59] : memref<819200xi32, #tpu.memory_space<hbm>> -> memref<1024xi32, #tpu.memory_space<hbm>>
        %dma_start3A_70 = tpu.memref_slice %arg4[%add3A_59] : memref<819200xi32, #tpu.memory_space<hbm>> -> memref<1024xi32, #tpu.memory_space<hbm>>
        tpu.enqueue_dma source(%dma_start3A_70 : memref<1024xi32, #tpu.memory_space<hbm>>) target(%arg10 : memref<1024xi32, #tpu.memory_space<vmem>>) target_semaphore(%run_scoped3A : memref<!tpu.dma_semaphore, #tpu.memory_space<semaphore_mem>>)
        %dma_wait3A = tpu.memref_slice %arg4[%add3A_59] : memref<819200xi32, #tpu.memory_space<hbm>> -> memref<1024xi32, #tpu.memory_space<hbm>>
        %dma_wait3A_71 = tpu.memref_slice %arg4[%add3A_59] : memref<819200xi32, #tpu.memory_space<hbm>> -> memref<1024xi32, #tpu.memory_space<hbm>>
        tpu.wait_dma2 semaphore(%run_scoped3A : memref<!tpu.dma_semaphore, #tpu.memory_space<semaphore_mem>>) src(%dma_wait3A_71 : memref<1024xi32, #tpu.memory_space<hbm>>) dst(%arg10 : memref<1024xi32, #tpu.memory_space<vmem>>)
        tpu.yield
      }) : () -> ()
      "tpu.region"() ({
        %run_scoped3A = tpu.sem_alloc : memref<!tpu.dma_semaphore, #tpu.memory_space<semaphore_mem>>
        %dma_start3A = tpu.memref_slice %arg5[%add3A_59] : memref<819200xf32, #tpu.memory_space<hbm>> -> memref<1024xf32, #tpu.memory_space<hbm>>
        %dma_start3A_70 = tpu.memref_slice %arg5[%add3A_59] : memref<819200xf32, #tpu.memory_space<hbm>> -> memref<1024xf32, #tpu.memory_space<hbm>>
        tpu.enqueue_dma source(%dma_start3A_70 : memref<1024xf32, #tpu.memory_space<hbm>>) target(%arg11 : memref<1024xf32, #tpu.memory_space<vmem>>) target_semaphore(%run_scoped3A : memref<!tpu.dma_semaphore, #tpu.memory_space<semaphore_mem>>)
        %dma_wait3A = tpu.memref_slice %arg5[%add3A_59] : memref<819200xf32, #tpu.memory_space<hbm>> -> memref<1024xf32, #tpu.memory_space<hbm>>
        %dma_wait3A_71 = tpu.memref_slice %arg5[%add3A_59] : memref<819200xf32, #tpu.memory_space<hbm>> -> memref<1024xf32, #tpu.memory_space<hbm>>
        tpu.wait_dma2 semaphore(%run_scoped3A : memref<!tpu.dma_semaphore, #tpu.memory_space<semaphore_mem>>) src(%dma_wait3A_71 : memref<1024xf32, #tpu.memory_space<hbm>>) dst(%arg11 : memref<1024xf32, #tpu.memory_space<vmem>>)
        tpu.yield
      }) : () -> ()
      "tpu.region"() ({
        %run_scoped3A = tpu.sem_alloc : memref<!tpu.dma_semaphore, #tpu.memory_space<semaphore_mem>>
        %dma_start3A = tpu.memref_slice %arg6[%add3A_59] : memref<819200xf32, #tpu.memory_space<hbm>> -> memref<1024xf32, #tpu.memory_space<hbm>>
        %dma_start3A_70 = tpu.memref_slice %arg6[%add3A_59] : memref<819200xf32, #tpu.memory_space<hbm>> -> memref<1024xf32, #tpu.memory_space<hbm>>
        tpu.enqueue_dma source(%dma_start3A_70 : memref<1024xf32, #tpu.memory_space<hbm>>) target(%arg12 : memref<1024xf32, #tpu.memory_space<vmem>>) target_semaphore(%run_scoped3A : memref<!tpu.dma_semaphore, #tpu.memory_space<semaphore_mem>>)
        %dma_wait3A = tpu.memref_slice %arg6[%add3A_59] : memref<819200xf32, #tpu.memory_space<hbm>> -> memref<1024xf32, #tpu.memory_space<hbm>>
        %dma_wait3A_71 = tpu.memref_slice %arg6[%add3A_59] : memref<819200xf32, #tpu.memory_space<hbm>> -> memref<1024xf32, #tpu.memory_space<hbm>>
        tpu.wait_dma2 semaphore(%run_scoped3A : memref<!tpu.dma_semaphore, #tpu.memory_space<semaphore_mem>>) src(%dma_wait3A_71 : memref<1024xf32, #tpu.memory_space<hbm>>) dst(%arg12 : memref<1024xf32, #tpu.memory_space<vmem>>)
        tpu.yield
      }) : () -> ()
      %scan3A_60 = arith.constant 0 : i32
      %scan3A_61 = arith.constant 0 : i32
      %scan3A_62 = arith.constant 1024 : i32
      %scan3A_63 = arith.addi %scan3A_61, %scan3A_62 : i32
      %scan3A_64 = arith.constant 4 : i32
      %scan3A_65 = scf.for %scan3A_70 = %scan3A_61 to %scan3A_63 step %scan3A_64 iter_args(%scan3A_71 = %scan3A_60) -> (i32)  : i32 {
        %broadcast_in_dim3A = vector.broadcast %scan3A_70 : i32 to vector<16xi32>
        %gather3A = tpu.vector_load_idx %arg10[%broadcast_in_dim3A] : memref<1024xi32, #tpu.memory_space<vmem>>[vector<16xi32>], vector<16xi32>,
        %gather3A_72 = tpu.vector_load_idx %arg11[%broadcast_in_dim3A] : memref<1024xf32, #tpu.memory_space<vmem>>[vector<16xi32>], vector<16xf32>,
        %gather3A_73 = tpu.vector_load_idx %arg12[%broadcast_in_dim3A] : memref<1024xf32, #tpu.memory_space<vmem>>[vector<16xi32>], vector<16xf32>,
        %gather3A_74 = tpu.vector_load_idx %arg8[%gather3A, %add3A_36] : memref<16x64xf32, #tpu.memory_space<vmem>>[vector<16xi32>, vector<16xi32>], vector<16xf32>,
        %mul3A_75 = arith.mulf %gather3A_72, %get3A_5 : vector<16xf32>
        %add3A_76 = arith.addf %gather3A_74, %mul3A_75 : vector<16xf32>
        %mul3A_77 = arith.mulf %gather3A_73, %get3A_21 : vector<16xf32>
        %add3A_78 = arith.addf %add3A_76, %mul3A_77 : vector<16xf32>
        %mul3A_79 = arith.constant 64 : i32
        %mul3A_80 = arith.muli %scan3A_70, %mul3A_79 : i32
        %add3A_81 = arith.constant 0 : i32
        %add3A_82 = arith.addi %mul3A_80, %add3A_81 : i32
        %swap3A = arith.index_cast %add3A_82 : i32 to index
        %swap3A_83 = tpu.vector_load %arg13[%swap3A] {strides = array<i32>} : memref<65536xf32, #tpu.memory_space<vmem>>, vector<16xf32>,
        tpu.vector_store %arg13[%swap3A], %add3A_78 {strides = array<i32>} : memref<65536xf32, #tpu.memory_space<vmem>>, vector<16xf32>,
        %gather3A_84 = tpu.vector_load_idx %arg8[%gather3A, %add3A_40] : memref<16x64xf32, #tpu.memory_space<vmem>>[vector<16xi32>, vector<16xi32>], vector<16xf32>,
        %mul3A_85 = arith.mulf %gather3A_72, %get3A_9 : vector<16xf32>
        %add3A_86 = arith.addf %gather3A_84, %mul3A_85 : vector<16xf32>
        %mul3A_87 = arith.mulf %gather3A_73, %get3A_25 : vector<16xf32>
        %add3A_88 = arith.addf %add3A_86, %mul3A_87 : vector<16xf32>
        %mul3A_89 = arith.constant 64 : i32
        %mul3A_90 = arith.muli %scan3A_70, %mul3A_89 : i32
        %add3A_91 = arith.constant 16 : i32
        %add3A_92 = arith.addi %mul3A_90, %add3A_91 : i32
        %swap3A_93 = arith.index_cast %add3A_92 : i32 to index
        %swap3A_94 = tpu.vector_load %arg13[%swap3A_93] {strides = array<i32>} : memref<65536xf32, #tpu.memory_space<vmem>>, vector<16xf32>,
        tpu.vector_store %arg13[%swap3A_93], %add3A_88 {strides = array<i32>} : memref<65536xf32, #tpu.memory_space<vmem>>, vector<16xf32>,
        %gather3A_95 = tpu.vector_load_idx %arg8[%gather3A, %add3A_44] : memref<16x64xf32, #tpu.memory_space<vmem>>[vector<16xi32>, vector<16xi32>], vector<16xf32>,
        %mul3A_96 = arith.mulf %gather3A_72, %get3A_13 : vector<16xf32>
        %add3A_97 = arith.addf %gather3A_95, %mul3A_96 : vector<16xf32>
        %mul3A_98 = arith.mulf %gather3A_73, %get3A_29 : vector<16xf32>
        %add3A_99 = arith.addf %add3A_97, %mul3A_98 : vector<16xf32>
        %mul3A_100 = arith.constant 64 : i32
        %mul3A_101 = arith.muli %scan3A_70, %mul3A_100 : i32
        %add3A_102 = arith.constant 32 : i32
        %add3A_103 = arith.addi %mul3A_101, %add3A_102 : i32
        %swap3A_104 = arith.index_cast %add3A_103 : i32 to index
        %swap3A_105 = tpu.vector_load %arg13[%swap3A_104] {strides = array<i32>} : memref<65536xf32, #tpu.memory_space<vmem>>, vector<16xf32>,
        tpu.vector_store %arg13[%swap3A_104], %add3A_99 {strides = array<i32>} : memref<65536xf32, #tpu.memory_space<vmem>>, vector<16xf32>,
        %gather3A_106 = tpu.vector_load_idx %arg8[%gather3A, %add3A_48] : memref<16x64xf32, #tpu.memory_space<vmem>>[vector<16xi32>, vector<16xi32>], vector<16xf32>,
        %mul3A_107 = arith.mulf %gather3A_72, %get3A_17 : vector<16xf32>
        %add3A_108 = arith.addf %gather3A_106, %mul3A_107 : vector<16xf32>
        %mul3A_109 = arith.mulf %gather3A_73, %get3A_33 : vector<16xf32>
        %add3A_110 = arith.addf %add3A_108, %mul3A_109 : vector<16xf32>
        %mul3A_111 = arith.constant 64 : i32
        %mul3A_112 = arith.muli %scan3A_70, %mul3A_111 : i32
        %add3A_113 = arith.constant 48 : i32
        %add3A_114 = arith.addi %mul3A_112, %add3A_113 : i32
        %swap3A_115 = arith.index_cast %add3A_114 : i32 to index
        %swap3A_116 = tpu.vector_load %arg13[%swap3A_115] {strides = array<i32>} : memref<65536xf32, #tpu.memory_space<vmem>>, vector<16xf32>,
        tpu.vector_store %arg13[%swap3A_115], %add3A_110 {strides = array<i32>} : memref<65536xf32, #tpu.memory_space<vmem>>, vector<16xf32>,
        %scan3A_117 = arith.constant 0 : i32
        %scan3A_118 = arith.constant 1 : i32
        %scan3A_119 = arith.addi %scan3A_70, %scan3A_118 : i32
        %broadcast_in_dim3A_120 = vector.broadcast %scan3A_119 : i32 to vector<16xi32>
        %gather3A_121 = tpu.vector_load_idx %arg10[%broadcast_in_dim3A_120] : memref<1024xi32, #tpu.memory_space<vmem>>[vector<16xi32>], vector<16xi32>,
        %gather3A_122 = tpu.vector_load_idx %arg11[%broadcast_in_dim3A_120] : memref<1024xf32, #tpu.memory_space<vmem>>[vector<16xi32>], vector<16xf32>,
        %gather3A_123 = tpu.vector_load_idx %arg12[%broadcast_in_dim3A_120] : memref<1024xf32, #tpu.memory_space<vmem>>[vector<16xi32>], vector<16xf32>,
        %gather3A_124 = tpu.vector_load_idx %arg8[%gather3A_121, %add3A_36] : memref<16x64xf32, #tpu.memory_space<vmem>>[vector<16xi32>, vector<16xi32>], vector<16xf32>,
        %mul3A_125 = arith.mulf %gather3A_122, %get3A_5 : vector<16xf32>
        %add3A_126 = arith.addf %gather3A_124, %mul3A_125 : vector<16xf32>
        %mul3A_127 = arith.mulf %gather3A_123, %get3A_21 : vector<16xf32>
        %add3A_128 = arith.addf %add3A_126, %mul3A_127 : vector<16xf32>
        %mul3A_129 = arith.constant 64 : i32
        %mul3A_130 = arith.muli %scan3A_119, %mul3A_129 : i32
        %add3A_131 = arith.constant 0 : i32
        %add3A_132 = arith.addi %mul3A_130, %add3A_131 : i32
        %swap3A_133 = arith.index_cast %add3A_132 : i32 to index
        %swap3A_134 = tpu.vector_load %arg13[%swap3A_133] {strides = array<i32>} : memref<65536xf32, #tpu.memory_space<vmem>>, vector<16xf32>,
        tpu.vector_store %arg13[%swap3A_133], %add3A_128 {strides = array<i32>} : memref<65536xf32, #tpu.memory_space<vmem>>, vector<16xf32>,
        %gather3A_135 = tpu.vector_load_idx %arg8[%gather3A_121, %add3A_40] : memref<16x64xf32, #tpu.memory_space<vmem>>[vector<16xi32>, vector<16xi32>], vector<16xf32>,
        %mul3A_136 = arith.mulf %gather3A_122, %get3A_9 : vector<16xf32>
        %add3A_137 = arith.addf %gather3A_135, %mul3A_136 : vector<16xf32>
        %mul3A_138 = arith.mulf %gather3A_123, %get3A_25 : vector<16xf32>
        %add3A_139 = arith.addf %add3A_137, %mul3A_138 : vector<16xf32>
        %mul3A_140 = arith.constant 64 : i32
        %mul3A_141 = arith.muli %scan3A_119, %mul3A_140 : i32
        %add3A_142 = arith.constant 16 : i32
        %add3A_143 = arith.addi %mul3A_141, %add3A_142 : i32
        %swap3A_144 = arith.index_cast %add3A_143 : i32 to index
        %swap3A_145 = tpu.vector_load %arg13[%swap3A_144] {strides = array<i32>} : memref<65536xf32, #tpu.memory_space<vmem>>, vector<16xf32>,
        tpu.vector_store %arg13[%swap3A_144], %add3A_139 {strides = array<i32>} : memref<65536xf32, #tpu.memory_space<vmem>>, vector<16xf32>,
        %gather3A_146 = tpu.vector_load_idx %arg8[%gather3A_121, %add3A_44] : memref<16x64xf32, #tpu.memory_space<vmem>>[vector<16xi32>, vector<16xi32>], vector<16xf32>,
        %mul3A_147 = arith.mulf %gather3A_122, %get3A_13 : vector<16xf32>
        %add3A_148 = arith.addf %gather3A_146, %mul3A_147 : vector<16xf32>
        %mul3A_149 = arith.mulf %gather3A_123, %get3A_29 : vector<16xf32>
        %add3A_150 = arith.addf %add3A_148, %mul3A_149 : vector<16xf32>
        %mul3A_151 = arith.constant 64 : i32
        %mul3A_152 = arith.muli %scan3A_119, %mul3A_151 : i32
        %add3A_153 = arith.constant 32 : i32
        %add3A_154 = arith.addi %mul3A_152, %add3A_153 : i32
        %swap3A_155 = arith.index_cast %add3A_154 : i32 to index
        %swap3A_156 = tpu.vector_load %arg13[%swap3A_155] {strides = array<i32>} : memref<65536xf32, #tpu.memory_space<vmem>>, vector<16xf32>,
        tpu.vector_store %arg13[%swap3A_155], %add3A_150 {strides = array<i32>} : memref<65536xf32, #tpu.memory_space<vmem>>, vector<16xf32>,
        %gather3A_157 = tpu.vector_load_idx %arg8[%gather3A_121, %add3A_48] : memref<16x64xf32, #tpu.memory_space<vmem>>[vector<16xi32>, vector<16xi32>], vector<16xf32>,
        %mul3A_158 = arith.mulf %gather3A_122, %get3A_17 : vector<16xf32>
        %add3A_159 = arith.addf %gather3A_157, %mul3A_158 : vector<16xf32>
        %mul3A_160 = arith.mulf %gather3A_123, %get3A_33 : vector<16xf32>
        %add3A_161 = arith.addf %add3A_159, %mul3A_160 : vector<16xf32>
        %mul3A_162 = arith.constant 64 : i32
        %mul3A_163 = arith.muli %scan3A_119, %mul3A_162 : i32
        %add3A_164 = arith.constant 48 : i32
        %add3A_165 = arith.addi %mul3A_163, %add3A_164 : i32
        %swap3A_166 = arith.index_cast %add3A_165 : i32 to index
        %swap3A_167 = tpu.vector_load %arg13[%swap3A_166] {strides = array<i32>} : memref<65536xf32, #tpu.memory_space<vmem>>, vector<16xf32>,
        tpu.vector_store %arg13[%swap3A_166], %add3A_161 {strides = array<i32>} : memref<65536xf32, #tpu.memory_space<vmem>>, vector<16xf32>,
        %scan3A_168 = arith.constant 0 : i32
        %scan3A_169 = arith.constant 2 : i32
        %scan3A_170 = arith.addi %scan3A_70, %scan3A_169 : i32
        %broadcast_in_dim3A_171 = vector.broadcast %scan3A_170 : i32 to vector<16xi32>
        %gather3A_172 = tpu.vector_load_idx %arg10[%broadcast_in_dim3A_171] : memref<1024xi32, #tpu.memory_space<vmem>>[vector<16xi32>], vector<16xi32>,
        %gather3A_173 = tpu.vector_load_idx %arg11[%broadcast_in_dim3A_171] : memref<1024xf32, #tpu.memory_space<vmem>>[vector<16xi32>], vector<16xf32>,
        %gather3A_174 = tpu.vector_load_idx %arg12[%broadcast_in_dim3A_171] : memref<1024xf32, #tpu.memory_space<vmem>>[vector<16xi32>], vector<16xf32>,
        %gather3A_175 = tpu.vector_load_idx %arg8[%gather3A_172, %add3A_36] : memref<16x64xf32, #tpu.memory_space<vmem>>[vector<16xi32>, vector<16xi32>], vector<16xf32>,
        %mul3A_176 = arith.mulf %gather3A_173, %get3A_5 : vector<16xf32>
        %add3A_177 = arith.addf %gather3A_175, %mul3A_176 : vector<16xf32>
        %mul3A_178 = arith.mulf %gather3A_174, %get3A_21 : vector<16xf32>
        %add3A_179 = arith.addf %add3A_177, %mul3A_178 : vector<16xf32>
        %mul3A_180 = arith.constant 64 : i32
        %mul3A_181 = arith.muli %scan3A_170, %mul3A_180 : i32
        %add3A_182 = arith.constant 0 : i32
        %add3A_183 = arith.addi %mul3A_181, %add3A_182 : i32
        %swap3A_184 = arith.index_cast %add3A_183 : i32 to index
        %swap3A_185 = tpu.vector_load %arg13[%swap3A_184] {strides = array<i32>} : memref<65536xf32, #tpu.memory_space<vmem>>, vector<16xf32>,
        tpu.vector_store %arg13[%swap3A_184], %add3A_179 {strides = array<i32>} : memref<65536xf32, #tpu.memory_space<vmem>>, vector<16xf32>,
        %gather3A_186 = tpu.vector_load_idx %arg8[%gather3A_172, %add3A_40] : memref<16x64xf32, #tpu.memory_space<vmem>>[vector<16xi32>, vector<16xi32>], vector<16xf32>,
        %mul3A_187 = arith.mulf %gather3A_173, %get3A_9 : vector<16xf32>
        %add3A_188 = arith.addf %gather3A_186, %mul3A_187 : vector<16xf32>
        %mul3A_189 = arith.mulf %gather3A_174, %get3A_25 : vector<16xf32>
        %add3A_190 = arith.addf %add3A_188, %mul3A_189 : vector<16xf32>
        %mul3A_191 = arith.constant 64 : i32
        %mul3A_192 = arith.muli %scan3A_170, %mul3A_191 : i32
        %add3A_193 = arith.constant 16 : i32
        %add3A_194 = arith.addi %mul3A_192, %add3A_193 : i32
        %swap3A_195 = arith.index_cast %add3A_194 : i32 to index
        %swap3A_196 = tpu.vector_load %arg13[%swap3A_195] {strides = array<i32>} : memref<65536xf32, #tpu.memory_space<vmem>>, vector<16xf32>,
        tpu.vector_store %arg13[%swap3A_195], %add3A_190 {strides = array<i32>} : memref<65536xf32, #tpu.memory_space<vmem>>, vector<16xf32>,
        %gather3A_197 = tpu.vector_load_idx %arg8[%gather3A_172, %add3A_44] : memref<16x64xf32, #tpu.memory_space<vmem>>[vector<16xi32>, vector<16xi32>], vector<16xf32>,
        %mul3A_198 = arith.mulf %gather3A_173, %get3A_13 : vector<16xf32>
        %add3A_199 = arith.addf %gather3A_197, %mul3A_198 : vector<16xf32>
        %mul3A_200 = arith.mulf %gather3A_174, %get3A_29 : vector<16xf32>
        %add3A_201 = arith.addf %add3A_199, %mul3A_200 : vector<16xf32>
        %mul3A_202 = arith.constant 64 : i32
        %mul3A_203 = arith.muli %scan3A_170, %mul3A_202 : i32
        %add3A_204 = arith.constant 32 : i32
        %add3A_205 = arith.addi %mul3A_203, %add3A_204 : i32
        %swap3A_206 = arith.index_cast %add3A_205 : i32 to index
        %swap3A_207 = tpu.vector_load %arg13[%swap3A_206] {strides = array<i32>} : memref<65536xf32, #tpu.memory_space<vmem>>, vector<16xf32>,
        tpu.vector_store %arg13[%swap3A_206], %add3A_201 {strides = array<i32>} : memref<65536xf32, #tpu.memory_space<vmem>>, vector<16xf32>,
        %gather3A_208 = tpu.vector_load_idx %arg8[%gather3A_172, %add3A_48] : memref<16x64xf32, #tpu.memory_space<vmem>>[vector<16xi32>, vector<16xi32>], vector<16xf32>,
        %mul3A_209 = arith.mulf %gather3A_173, %get3A_17 : vector<16xf32>
        %add3A_210 = arith.addf %gather3A_208, %mul3A_209 : vector<16xf32>
        %mul3A_211 = arith.mulf %gather3A_174, %get3A_33 : vector<16xf32>
        %add3A_212 = arith.addf %add3A_210, %mul3A_211 : vector<16xf32>
        %mul3A_213 = arith.constant 64 : i32
        %mul3A_214 = arith.muli %scan3A_170, %mul3A_213 : i32
        %add3A_215 = arith.constant 48 : i32
        %add3A_216 = arith.addi %mul3A_214, %add3A_215 : i32
        %swap3A_217 = arith.index_cast %add3A_216 : i32 to index
        %swap3A_218 = tpu.vector_load %arg13[%swap3A_217] {strides = array<i32>} : memref<65536xf32, #tpu.memory_space<vmem>>, vector<16xf32>,
        tpu.vector_store %arg13[%swap3A_217], %add3A_212 {strides = array<i32>} : memref<65536xf32, #tpu.memory_space<vmem>>, vector<16xf32>,
        %scan3A_219 = arith.constant 0 : i32
        %scan3A_220 = arith.constant 3 : i32
        %scan3A_221 = arith.addi %scan3A_70, %scan3A_220 : i32
        %broadcast_in_dim3A_222 = vector.broadcast %scan3A_221 : i32 to vector<16xi32>
        %gather3A_223 = tpu.vector_load_idx %arg10[%broadcast_in_dim3A_222] : memref<1024xi32, #tpu.memory_space<vmem>>[vector<16xi32>], vector<16xi32>,
        %gather3A_224 = tpu.vector_load_idx %arg11[%broadcast_in_dim3A_222] : memref<1024xf32, #tpu.memory_space<vmem>>[vector<16xi32>], vector<16xf32>,
        %gather3A_225 = tpu.vector_load_idx %arg12[%broadcast_in_dim3A_222] : memref<1024xf32, #tpu.memory_space<vmem>>[vector<16xi32>], vector<16xf32>,
        %gather3A_226 = tpu.vector_load_idx %arg8[%gather3A_223, %add3A_36] : memref<16x64xf32, #tpu.memory_space<vmem>>[vector<16xi32>, vector<16xi32>], vector<16xf32>,
        %mul3A_227 = arith.mulf %gather3A_224, %get3A_5 : vector<16xf32>
        %add3A_228 = arith.addf %gather3A_226, %mul3A_227 : vector<16xf32>
        %mul3A_229 = arith.mulf %gather3A_225, %get3A_21 : vector<16xf32>
        %add3A_230 = arith.addf %add3A_228, %mul3A_229 : vector<16xf32>
        %mul3A_231 = arith.constant 64 : i32
        %mul3A_232 = arith.muli %scan3A_221, %mul3A_231 : i32
        %add3A_233 = arith.constant 0 : i32
        %add3A_234 = arith.addi %mul3A_232, %add3A_233 : i32
        %swap3A_235 = arith.index_cast %add3A_234 : i32 to index
        %swap3A_236 = tpu.vector_load %arg13[%swap3A_235] {strides = array<i32>} : memref<65536xf32, #tpu.memory_space<vmem>>, vector<16xf32>,
        tpu.vector_store %arg13[%swap3A_235], %add3A_230 {strides = array<i32>} : memref<65536xf32, #tpu.memory_space<vmem>>, vector<16xf32>,
        %gather3A_237 = tpu.vector_load_idx %arg8[%gather3A_223, %add3A_40] : memref<16x64xf32, #tpu.memory_space<vmem>>[vector<16xi32>, vector<16xi32>], vector<16xf32>,
        %mul3A_238 = arith.mulf %gather3A_224, %get3A_9 : vector<16xf32>
        %add3A_239 = arith.addf %gather3A_237, %mul3A_238 : vector<16xf32>
        %mul3A_240 = arith.mulf %gather3A_225, %get3A_25 : vector<16xf32>
        %add3A_241 = arith.addf %add3A_239, %mul3A_240 : vector<16xf32>
        %mul3A_242 = arith.constant 64 : i32
        %mul3A_243 = arith.muli %scan3A_221, %mul3A_242 : i32
        %add3A_244 = arith.constant 16 : i32
        %add3A_245 = arith.addi %mul3A_243, %add3A_244 : i32
        %swap3A_246 = arith.index_cast %add3A_245 : i32 to index
        %swap3A_247 = tpu.vector_load %arg13[%swap3A_246] {strides = array<i32>} : memref<65536xf32, #tpu.memory_space<vmem>>, vector<16xf32>,
        tpu.vector_store %arg13[%swap3A_246], %add3A_241 {strides = array<i32>} : memref<65536xf32, #tpu.memory_space<vmem>>, vector<16xf32>,
        %gather3A_248 = tpu.vector_load_idx %arg8[%gather3A_223, %add3A_44] : memref<16x64xf32, #tpu.memory_space<vmem>>[vector<16xi32>, vector<16xi32>], vector<16xf32>,
        %mul3A_249 = arith.mulf %gather3A_224, %get3A_13 : vector<16xf32>
        %add3A_250 = arith.addf %gather3A_248, %mul3A_249 : vector<16xf32>
        %mul3A_251 = arith.mulf %gather3A_225, %get3A_29 : vector<16xf32>
        %add3A_252 = arith.addf %add3A_250, %mul3A_251 : vector<16xf32>
        %mul3A_253 = arith.constant 64 : i32
        %mul3A_254 = arith.muli %scan3A_221, %mul3A_253 : i32
        %add3A_255 = arith.constant 32 : i32
        %add3A_256 = arith.addi %mul3A_254, %add3A_255 : i32
        %swap3A_257 = arith.index_cast %add3A_256 : i32 to index
        %swap3A_258 = tpu.vector_load %arg13[%swap3A_257] {strides = array<i32>} : memref<65536xf32, #tpu.memory_space<vmem>>, vector<16xf32>,
        tpu.vector_store %arg13[%swap3A_257], %add3A_252 {strides = array<i32>} : memref<65536xf32, #tpu.memory_space<vmem>>, vector<16xf32>,
        %gather3A_259 = tpu.vector_load_idx %arg8[%gather3A_223, %add3A_48] : memref<16x64xf32, #tpu.memory_space<vmem>>[vector<16xi32>, vector<16xi32>], vector<16xf32>,
        %mul3A_260 = arith.mulf %gather3A_224, %get3A_17 : vector<16xf32>
        %add3A_261 = arith.addf %gather3A_259, %mul3A_260 : vector<16xf32>
        %mul3A_262 = arith.mulf %gather3A_225, %get3A_33 : vector<16xf32>
        %add3A_263 = arith.addf %add3A_261, %mul3A_262 : vector<16xf32>
        %mul3A_264 = arith.constant 64 : i32
        %mul3A_265 = arith.muli %scan3A_221, %mul3A_264 : i32
        %add3A_266 = arith.constant 48 : i32
        %add3A_267 = arith.addi %mul3A_265, %add3A_266 : i32
        %swap3A_268 = arith.index_cast %add3A_267 : i32 to index
        %swap3A_269 = tpu.vector_load %arg13[%swap3A_268] {strides = array<i32>} : memref<65536xf32, #tpu.memory_space<vmem>>, vector<16xf32>,
        tpu.vector_store %arg13[%swap3A_268], %add3A_263 {strides = array<i32>} : memref<65536xf32, #tpu.memory_space<vmem>>, vector<16xf32>,
        %scan3A_270 = arith.constant 0 : i32
        scf.yield %scan3A_270 : i32
      }
      %scan3A_66 = arith.constant 1024 : i32
      %mul3A_67 = arith.constant 64 : i32
      %mul3A_68 = arith.muli %add3A_59, %mul3A_67 : i32
      "tpu.region"() ({
        %run_scoped3A = tpu.sem_alloc : memref<!tpu.dma_semaphore, #tpu.memory_space<semaphore_mem>>
        %dma_start3A = tpu.memref_slice %arg7[%mul3A_68] : memref<52428800xf32, #tpu.memory_space<hbm>> -> memref<65536xf32, #tpu.memory_space<hbm>>
        %dma_start3A_70 = tpu.memref_slice %arg7[%mul3A_68] : memref<52428800xf32, #tpu.memory_space<hbm>> -> memref<65536xf32, #tpu.memory_space<hbm>>
        tpu.enqueue_dma source(%arg13 : memref<65536xf32, #tpu.memory_space<vmem>>) target(%dma_start3A_70 : memref<65536xf32, #tpu.memory_space<hbm>>) target_semaphore(%run_scoped3A : memref<!tpu.dma_semaphore, #tpu.memory_space<semaphore_mem>>)
        %dma_wait3A = tpu.memref_slice %arg7[%mul3A_68] : memref<52428800xf32, #tpu.memory_space<hbm>> -> memref<65536xf32, #tpu.memory_space<hbm>>
        %dma_wait3A_71 = tpu.memref_slice %arg7[%mul3A_68] : memref<52428800xf32, #tpu.memory_space<hbm>> -> memref<65536xf32, #tpu.memory_space<hbm>>
        tpu.wait_dma2 semaphore(%run_scoped3A : memref<!tpu.dma_semaphore, #tpu.memory_space<semaphore_mem>>) src(%arg13 : memref<65536xf32, #tpu.memory_space<vmem>>) dst(%dma_wait3A_71 : memref<65536xf32, #tpu.memory_space<hbm>>)
        tpu.yield
      }) : () -> ()
      %scan3A_69 = arith.constant 0 : i32
      scf.yield %scan3A_69 : i32
    }
    %scan3A_54 = arith.constant 25 : i32
    return
  }
}

module attributes {stable_mosaic.version = 14 : i64} {
  func.func @_proj_table_kernel(%arg0: memref<16x64xf32, #tpu.memory_space<vmem>>, %arg1: memref<64x64xf32, #tpu.memory_space<vmem>>, %arg2: memref<1x64xf32, #tpu.memory_space<vmem>>, %arg3: memref<16x64xf32, #tpu.memory_space<vmem>>) attributes {dimension_semantics = [], scalar_prefetch = 0 : i64, scratch_operands = 0 : i64, tpu.core_type = #tpu.core_type<tc>} {
    %get3A = arith.constant 0 : index
    %get3A_0 = arith.constant 0 : index
    %get3A_1 = vector.load %arg0[%get3A, %get3A_0] : memref<16x64xf32, #tpu.memory_space<vmem>>, vector<16x64xf32>
    %get3A_2 = arith.constant 0 : index
    %get3A_3 = arith.constant 0 : index
    %get3A_4 = vector.load %arg1[%get3A_2, %get3A_3] : memref<64x64xf32, #tpu.memory_space<vmem>>, vector<64x64xf32>
    %dot_general3A = arith.constant dense<0.000000e+00> : vector<16x64xf32>
    %dot_general3A_5 = tpu.matmul %get3A_1, %get3A_4, %dot_general3A {dimension_numbers = #tpu.dot_dimension_numbers<[1], [1], [0], [0], [0, 0, 1, 0], [], []>, transpose_lhs_hint = false} : vector<16x64xf32>, vector<64x64xf32>, vector<16x64xf32> -> vector<16x64xf32>
    %get3A_6 = arith.constant 0 : index
    %get3A_7 = arith.constant 0 : index
    %get3A_8 = vector.load %arg2[%get3A_6, %get3A_7] : memref<1x64xf32, #tpu.memory_space<vmem>>, vector<1x64xf32>
    %add3A = vector.broadcast %get3A_8 : vector<1x64xf32> to vector<16x64xf32>
    %add3A_9 = arith.addf %dot_general3A_5, %add3A : vector<16x64xf32>
    %swap3A = arith.constant 0 : index
    %swap3A_10 = arith.constant 0 : index
    %swap3A_11 = vector.load %arg3[%swap3A, %swap3A_10] : memref<16x64xf32, #tpu.memory_space<vmem>>, vector<16x64xf32>
    tpu.vector_store %arg3[%swap3A, %swap3A_10], %add3A_9 {strides = array<i32>} : memref<16x64xf32, #tpu.memory_space<vmem>>, vector<16x64xf32>,
    return
  }
}

</mosaic_0001>

<sc_bundles>
// kernel: kernel.4.cloned.1.call-start
scs
__scs_entry_jumppad:
0x0: {  	(pc) =	sbr.rel $0x88, $3  }
0x1: {  	(tag) =	ssettag $0x0;
	lr =	simm.s32 $0x1  }
0x2: {  	[smem:$0x3F9B] =	sst lr;
	_ =	strace $0xD0000000  }
0x3: {  	_ = 	snop  }
0x4: {  	_ = 	snop  }
0x5: {  	_ = 	snop  }
0x6: {  	_ = 	snop  }
0x7: {  	_ = 	snop  }
__scs_overlays_trampoline_lowered:
0x8: {  	[smem:$0x3FAA] =	sst s0  }
0x9: {  	[smem:$0x3FAB] =	sst s1  }
0xa: {  	[smem:$0x3FAC] =	sst s2  }
0xb: {  	[smem:$0x3FAD] =	sst s3  }
0xc: {  	[smem:$0x3FAE] =	sst s4  }
0xd: {  	[smem:$0x3FAF] =	sst s5  }
0xe: {  	[smem:$0x3FB0] =	sst s6  }
0xf: {  	[smem:$0x3FB1] =	sst s7  }
0x10: {  	[smem:$0x3FB2] =	sst s8  }
0x11: {  	[smem:$0x3FB3] =	sst s9;
	s0 =	simm.s32 @!p0 $0x0  }
0x12: {  	s1 =	sld [smem:$0x3F99];
	s0 =	simm.s32 @p0 $0x1  }
0x13: {  	[smem:$0x3FB4] =	sst s0;
	s0 =	simm.s32 @!p1 $0x0  }
0x14: {  	s2 =	sld [smem:$0x3F98];
	s0 =	simm.s32 @p1 $0x1  }
0x15: {  	[smem:$0x3FB5] =	sst s0;
	s0 =	simm.s32 @!p2 $0x0  }
0x16: {  	s3 =	sld [smem:$0x3FDB];
	s0 =	simm.s32 @p2 $0x1  }
0x17: {  	s4 =	simm.s32 $0x1BF5;
	[smem:$0x3FB7] =	sst s0  }
0x18: {  	s0 =	sld [smem:$0x3F9A];
	_ =	swait.ge [sflag:s4], $0x0  }
0x19: {  	s7 =	sld [smem:$0x3F9B]  }
0x1a: {  	s8 =	sadd.s32 $0xFFFFE003, lr  }
0x1b: {  	s9 =	sadd.s32 $0xFFFFFEF7, lr;
	s5 =	simm.s32 $0xFFFFFFFF;
	p2 =	slt.u32 s8, $0xFFFFF086  }
0x1c: {  	p1 =	slt.u32 s9, $0xF7A;
	s5 =	simm.s32 @!p2 $0x0  }
0x1d: {  	s5 =	simm.s32 @p1 $0x1;
	p0 =	seq.s32 s7, s2  }
0x1e: {  	s7 =	smul.u32 @!p0 $0xF7A, s2;
	p2 =	seq.s32 @!p0 s5, $0x0  }
0x1f: {  	s9 =	smul.u32 $0xF7A, s1;
	s8 =	simm.s32 @!p0 $0x1BF5;
	p2 =	por !p2, p0  }
0x20: {  	[sflag:s8] =	ssyncset.s32 @!p0 $0xFFFFF086;
	s6 =	sadd.s32 @!p0 s3, s7;
	s7 =	simm.s32 @!p0 $0x108  }
0x21: {  	s3 =	sadd.s32 s3, s9;
	s6 =	sadd.s32 @!p0 $0x88, s6;
	s7 =	simm.s32 @p2 $0x1082  }
0x22: {  	[simem:s7], [sflag:s8] =	dma.local @!p0 [hbm:s6], $0xF7A  }
0x23: {  	s9 =	sor.u32 $0xD0000000, s2;
	s6 =	simm.s32 $0x108;
	_ =	swait.ge @!p0 [sflag:s8], $0x0  }
0x24: {  	s3 =	sadd.s32 $0x88, s3;
	s6 =	simm.s32 @!p1 $0x1082;
	[sflag:s4] =	ssyncset.s32 $0xFFFFF086  }
0x25: {  	[simem:s6], [sflag:s4] =	dma.local [hbm:s3], $0xF7A  }
0x26: {  	[smem:$0x3F9B] =	sst s1;
	(tag) =	ssettag s2;
	_ =	strace s9  }
0x27: {  	s1 =	sld [smem:$0x3FAB]  }
0x28: {  	s2 =	sld [smem:$0x3FAC]  }
0x29: {  	s4 =	sld [smem:$0x3FAE]  }
0x2a: {  	p0 =	seq.s32 s5, $0x0;
	s5 =	sld [smem:$0x3FAF]  }
0x2b: {  	s6 =	sld [smem:$0x3FB0]  }
0x2c: {  	s7 =	sld [smem:$0x3FB1]  }
0x2d: {  	s3 =	simm.s32 $0x108;
	s8 =	sld [smem:$0x3FB2]  }
0x2e: {  	s3 =	simm.s32 @!p0 $0x1082;
	s9 =	sld [smem:$0x3FB3]  }
0x2f: {  	lr =	sadd.s32 s0, s3;
	s0 =	sld [smem:$0x3FAA]  }
0x30: {  	s3 =	sld [smem:$0x3FAD]  }
0x31: {  	[smem:$0x3FB6] =	sst s10  }
0x32: {  	s10 =	sld [smem:$0x3FB4];
	_ =	sdelay $0x3  }
0x33: {  	p0 =	seq.s32 s10, $0x1;
	s10 =	sld [smem:$0x3FB6];
	_ =	sdelay $0x3  }
0x34: {  	[smem:$0x3FB6] =	sst s10  }
0x35: {  	s10 =	sld [smem:$0x3FB5];
	_ =	sdelay $0x3  }
0x36: {  	p1 =	seq.s32 s10, $0x1;
	s10 =	sld [smem:$0x3FB6];
	_ =	sdelay $0x3  }
0x37: {  	[smem:$0x3FB6] =	sst s10  }
0x38: {  	s10 =	sld [smem:$0x3FB7]  }
0x39: {  	_ = 	snop;
	(pc) =	sbr.ind lr, $3  }
0x3a: {  	_ = 	snop  }
0x3b: {  	_ = 	snop  }
0x3c: {  	p2 =	seq.s32 s10, $0x1;
	s10 =	sld [smem:$0x3FB6]  }
0x3d: {  	_ =	shalt  }
0x3e: {  	_ =	shalt  }
0x3f: {  	_ =	shalt  }
0x40: {  	_ =	shalt  }
0x41: {  	_ =	shalt  }
0x42: {  	_ =	shalt  }
0x43: {  	_ =	shalt  }
0x44: {  	_ =	shalt  }
0x45: {  	_ =	shalt  }
0x46: {  	_ =	shalt  }
0x47: {  	_ =	shalt  }
0x48: {  	_ =	shalt  }
0x49: {  	_ =	shalt  }
0x4a: {  	_ =	shalt  }
0x4b: {  	_ =	shalt  }
0x4c: {  	_ =	shalt  }
0x4d: {  	_ =	shalt  }
0x4e: {  	_ =	shalt  }
0x4f: {  	_ =	shalt  }
0x50: {  	_ =	shalt  }
0x51: {  	_ =	shalt  }
0x52: {  	_ =	shalt  }
0x53: {  	_ =	shalt  }
0x54: {  	_ =	shalt  }
0x55: {  	_ =	shalt  }
0x56: {  	_ =	shalt  }
0x57: {  	_ =	shalt  }
0x58: {  	_ =	shalt  }
0x59: {  	_ =	shalt  }
0x5a: {  	_ =	shalt  }
0x5b: {  	_ =	shalt  }
0x5c: {  	_ =	shalt  }
0x5d: {  	_ =	shalt  }
0x5e: {  	_ =	shalt  }
0x5f: {  	_ =	shalt  }
0x60: {  	_ =	shalt  }
0x61: {  	_ =	shalt  }
0x62: {  	_ =	shalt  }
0x63: {  	_ =	shalt  }
0x64: {  	_ =	shalt  }
0x65: {  	_ =	shalt  }
0x66: {  	_ =	shalt  }
0x67: {  	_ =	shalt  }
0x68: {  	_ =	shalt  }
0x69: {  	_ =	shalt  }
0x6a: {  	_ =	shalt  }
0x6b: {  	_ =	shalt  }
0x6c: {  	_ =	shalt  }
0x6d: {  	_ =	shalt  }
0x6e: {  	_ =	shalt  }
0x6f: {  	_ =	shalt  }
0x70: {  	_ =	shalt  }
0x71: {  	_ =	shalt  }
0x72: {  	_ =	shalt  }
0x73: {  	_ =	shalt  }
0x74: {  	_ =	shalt  }
0x75: {  	_ =	shalt  }
0x76: {  	_ =	shalt  }
0x77: {  	_ =	shalt  }
0x78: {  	_ =	shalt  }
0x79: {  	_ =	shalt  }
0x7a: {  	_ =	shalt  }
0x7b: {  	_ =	shalt  }
0x7c: {  	_ =	shalt  }
0x7d: {  	_ =	shalt  }
0x7e: {  	_ =	shalt  }
0x7f: {  	_ =	shalt  }
0x80: {  	_ =	shalt  }
0x81: {  	_ =	shalt  }
0x82: {  	_ =	shalt  }
0x83: {  	_ =	shalt  }
0x84: {  	_ =	shalt  }
0x85: {  	_ =	shalt  }
0x86: {  	_ =	shalt  }
0x87: {  	_ =	shalt  }
.Lfunc_end0:
.L_simem_size_0:
called_computation.1_lowered:
.L_overlay_start_0:
0x88: {  	s2 =	sld [smem:$0x3FD9]  }
0x89: {  	s3 =	sld [smem:$0x3FFE];
	_ =	sdelay $0x1  }
0x8a: {  	s1 =	srdreg.scid  }
0x8b: {  	s0 =	sand.u32 $0x1, s1  }
0x8c: {  	s17 =	sshll.u32 s0, $0xA;
	s2 =	sadd.s32 s3, s2  }
0x8d: {  	s2 =	sadd.s32 s2, s17  }
0x8e: {  	[smem:$0x3FC2] =	sst s2  }
0x8f: {  	_ = 	snop  }
0x90: {  	s2 =	sld [smem:$0x3FD0];
	(tm) =	ssettm $0x1  }
0x91: {  	s18 =	sld [smem:$0x3FFB];
	_ =	sdelay $0x3  }
0x92: {  	_ =	strace s18  }
0x93: {  	s3 =	sld [smem:$0x3FFC];
	_ =	sdelay $0x3  }
0x94: {  	_ =	strace s3  }
0x95: {  	s3 =	sld [smem:$0x3FFD];
	_ =	sdelay $0x3  }
0x96: {  	_ =	strace s3  }
0x97: {  	_ =	strace $0x8FFFFFFF  }
0x98: {  	s19 =	sld [smem:$0x3FDB];
	_ =	sdelay $0x1  }
0x99: {  	s4 =	simm.s32 $_scs_section_size  }
0x9a: {  	s5 =	simm.s32 $_size__tile_overlayer_lowered;
	s6 =	simm.s32 $_tile_overlayer_lowered  }
0x9b: {  	s22 =	simm.s32 $0x1BFF;
	s21 =	sshll.u32 s6, $0x1;
	s3 =	sadd.s32 s4, s19  }
0x9c: {  	s7 =	simm.s32 $0x0;
	s20 =	sshll.u32 s5, $0x1;
	s5 =	sadd.s32 s21, s3  }
0x9d: {  	[timem:s7], [sflag:s22] =	dma.local [hbm:s5], s20  }
0x9e: {  	_ =	swait.ge [sflag:s22], s20  }
0x9f: {  	s4 =	ssub.s32 $0x0, s20;
	[sflag:s22] =	ssyncset.done $0x0  }
0xa0: {  	[sflag:s22] =	ssyncadd.s32 s4;
	_ =	sdelay $0x1  }
0xa1: {  	s23 =	simm.s32 $0x1B8B  }
0xa2: {  	_ =	swait.ge [sflag:s23], $0x1  }
0xa3: {  	[sflag:s23] =	ssyncset.done $0x0  }
0xa4: {  	s25 =	simm.s32 $0x1B8E;
	s24 =	sld [smem:$0x3FFE];
	[sflag:s23] =	ssyncadd.s32 $0xFFFFFFFF  }
0xa5: {  	s26 =	simm.s32 $execute0_lowered;
	[smem:$0x3FD2] =	sst s25  }
0xa6: {  	s5 =	sshll.u32 s26, $0x1;
	_ =	strace $0x80000046;
	[dreg:$0x1] =	wrdreg $0xFFFFFFFF  }
0xa7: {  	s28 =	simm.s32 $_size_execute0_lowered;
	s3 =	sadd.s32 s3, s5;
	[dreg:$0x0] =	wrdreg $0x0  }
0xa8: {  	s5 =	sshll.u32 s28, $0x1;
	[dreg:$0x2] =	wrdreg s3  }
0xa9: {  	[dreg:$0x3] =	wrdreg s5  }
0xaa: {  	[dreg:$0x4] =	wrdreg $0xC0  }
0xab: {  	_ =	task [dreg:s7], $0x5FFFF  }
0xac: {  	[dreg:$0x1] =	wrdreg $0xFFFFFFFF  }
0xad: {  	[dreg:$0x0] =	wrdreg $0x60  }
0xae: {  	[dreg:$0x2] =	wrdreg s24  }
0xaf: {  	[dreg:$0x3] =	wrdreg s2  }
0xb0: {  	[dreg:$0x4] =	wrdreg $0x9  }
0xb1: {  	_ =	task.clear_ibuf [dreg:s7], $0x5FFFF;
	_ =	strace $0x90000046  }
0xb2: {  	s29 =	simm.s32 $0x9;
	_ =	strace $0x80000048  }
0xb3: {  	_ =	swait.ge [sflag:s29], $0x1  }
0xb4: {  	[sflag:s29] =	ssyncadd.s32 $0xFFFFFFFF  }
0xb5: {  	_ =	strace $0x90000048  }
0xb6: {  	_ =	sfence  }
0xb7: {  	s30 =	sld [smem:$0x0];
	_ =	sdelay $0x2  }
0xb8: {  	s31 =	sshll.u32 s1, $0xD;
	s1 =	sshrl.u32 s1, $0x2  }
0xb9: {  	s3 =	sand.u32 $0x4000, s31;
	s1 =	sadd.s32 s1, s30  }
0xba: {  	s0 =	sor.u32 s3, s0;
	s1 =	sshll.u32 s1, $0x11  }
0xbb: {  	s0 =	sor.u32 s1, s0  }
0xbc: {  	s0 =	sadd.s32 $0x8F2B, s0  }
0xbd: {  	[sflag:s0] =	ssyncadd.remote.s32 $0x1  }
0xbe: {  	_ =	sfence.sel $0xFFFF  }
0xbf: {  	[dreg:$0x0] =	wrdreg $0xFFFFFFFF;
	(pc) =	sbr.abs _section_cstart, $3  }
0xc0: {  	[dreg:$0x1] =	wrdreg $0xFFFFFFFF  }
0xc1: {  	_ =	task.clear_ibuf [dreg:s7], $0x2FFFF;
	_ =	strace $0x9FFFFFFF  }
0xc2: {  	(tm) =	ssettm $0x7FFFFFFF  }
0xc3: {  	_ =	shalt  }
tec
execute0_lowered:
.L_overlay_start_1:
0x0: {  	(tag) =	ssettag $0x1  }
0x1: {  	s8 =	rddreg [dreg:$0x0]  }
0x2: {  	s1 =	rddreg [dreg:$0x1]  }
0x3: {  	s0 =	rddreg [dreg:$0x2];
	s2 =	simm.s32 $0x0  }
0x4: {  	s3 =	srdreg.scid;
	s13 =	simm.s32 $0x900;
	s14 =	simm.s32 $0xD00  }
0x5: {  	s15 =	simm.s32 $0x1100;
	s16 =	simm.s32 $0x1500;
	s17 =	simm.s32 $0x0  }
0x6: {  	[smem:$0x7FF] =	sst s2;
	s4 =	sadd.s32 $0x4C600, s8;
	s5 =	sadd.s32 $0x1400, s8  }
0x7: {  	s9 =	sand.u32 $0x1, s3;
	s6 =	sadd.s32 $0x1600, s8;
	s3 =	stileid.u32  }
0x8: {  	s7 =	sadd.s32 $0x1A600, s8;
	s8 =	sadd.s32 $0x33600, s8;
	s10 =	ssub.s32 $0x2, s9  }
0x9: {  	_ =	strace $0x80000047;
	s12 =	sshll.u32 s3, $0x1;
	s11 =	sshrl.u32 s10, $0x1  }
0xa: {  	v0 =	vlaneseq.u32;
	s9 =	sor.u32 s9, s12;
	s12 =	simm.s32 $0x800;
	s10 =	ssub.s32 s10, s11  }
0xb: {  	v1 =	vor.u32 $0x10, v0;
	v2 =	vor.u32 $0x20, v0;
	v3 =	vor.u32 $0x30, v0;
	s9 =	smul.u32 $0x6400, s9;
	s11 =	simm.s32 $0x1;
	s10 =	smax.u32 s10, $0x1  }
.LBB2_1:
0xc: {  	[tilespmem:s2], [sflag:$0x1] =	stream.linear.gather [hbm4b:s4+s2], $0x800, $0x38;
	[tilespmem:$0x11500] =	vst v63  }
0xd: {  	_ =	swait.ge [sflag:s11], $0x800  }
0xe: {  	[sflag:s11] =	ssyncset.done $0x0  }
0xf: {  	[sflag:s11] =	ssyncadd.s32 $0xFFFFF800  }
0x10: {  	[tilespmem:s12], [sflag:$0x1] =	stream.linear.gather [hbm4b:s5+s2], $0x100, $0x38;
	[tilespmem:$0x11500] =	vst v63  }
0x11: {  	_ =	swait.ge [sflag:s11], $0x100  }
0x12: {  	[sflag:s11] =	ssyncset.done $0x0  }
0x13: {  	[sflag:s11] =	ssyncadd.s32 $0xFFFFFF00  }
0x14: {  	v4 =	vld [tilespmem:$0x800]  }
0x15: {  	v5 =	vld [tilespmem:$0x810]  }
0x16: {  	v6 =	vld [tilespmem:$0x820]  }
0x17: {  	v7 =	vld [tilespmem:$0x830]  }
0x18: {  	v8 =	vld [tilespmem:$0x880]  }
0x19: {  	v9 =	vld [tilespmem:$0x890]  }
0x1a: {  	v10 =	vld [tilespmem:$0x8A0]  }
0x1b: {  	s18 =	simm.s32 $0x0;
	v11 =	vld [tilespmem:$0x8B0]  }
.LBB2_2:
0x1c: {  	s19 =	sshll.u32 s18, $0xA  }
0x1d: {  	s19 =	sadd.s32 s9, s19  }
0x1e: {  	s21 =	sshrl.u32 s19, $0x3  }
0x1f: {  	s20 =	simm.s32 $0x0;
	s22 =	sadd.s32 s6, s21  }
0x20: {  	[tilespmem:s13], [sflag:$0x1] =	stream.linear.gather [hbm4b:s22+s20], $0x400, $0x38;
	[tilespmem:$0x11500] =	vst v63  }
0x21: {  	_ =	swait.ge [sflag:s11], $0x400  }
0x22: {  	[sflag:s11] =	ssyncset.done $0x0  }
0x23: {  	s31 =	sadd.s32 s7, s21;
	[sflag:s11] =	ssyncadd.s32 $0xFFFFFC00  }
0x24: {  	[tilespmem:s14], [sflag:$0x1] =	stream.linear.gather [hbm4b:s31+s20], $0x400, $0x38;
	[tilespmem:$0x11500] =	vst v63  }
0x25: {  	_ =	swait.ge [sflag:s11], $0x400  }
0x26: {  	[sflag:s11] =	ssyncset.done $0x0  }
0x27: {  	s21 =	sadd.s32 s8, s21;
	[sflag:s11] =	ssyncadd.s32 $0xFFFFFC00  }
0x28: {  	[tilespmem:s15], [sflag:$0x1] =	stream.linear.gather [hbm4b:s21+s20], $0x400, $0x38;
	[tilespmem:$0x11500] =	vst v63  }
0x29: {  	_ =	swait.ge [sflag:s11], $0x400  }
0x2a: {  	[sflag:s11] =	ssyncset.done $0x0  }
0x2b: {  	s22 =	simm.s32 $0x1580;
	s21 =	simm.s32 $0xC0;
	[sflag:s11] =	ssyncadd.s32 $0xFFFFFC00  }
.LBB2_3:
0x2c: {  	v12 =	vmov s20  }
0x2d: {  	v12 =	vand.u32 $0xFFFFFFFC, v12  }
0x2e: {  	v12 =	vbroadcast v12, $0x0;
	_ =	sdelay $0x5  }
0x2f: {  	v13 =	vld.idx.msk [tilespmem:v12+s13+$0x0], $0xffff;
	_ =	sdelay $0x4  }
0x30: {  	v13 =	vshll.u32 v13, $0x7  }
0x31: {  	v14 =	vor.u32 v0, v13;
	_ =	sdelay $0x2  }
0x32: {  	v15 =	vld.idx.msk [tilespmem:v12+s14+$0x0], $0xffff  }
0x33: {  	v12 =	vld.idx.msk [tilespmem:v12+s15+$0x0], $0xffff  }
0x34: {  	v14 =	vld.idx.msk [tilespmem:v14+s2+$0x0], $0xffff;
	_ =	sdelay $0x2  }
0x35: {  	v16 =	vmul.f32 v15, v4;
	_ =	sdelay $0x1  }
0x36: {  	v22 =	vmul.f32 v12, v8;
	v17 =	vor.u32 v1, v13;
	v14 =	vadd.f32 v14, v16;
	_ =	sdelay $0x1  }
0x37: {  	v14 =	vadd.f32 v14, v22;
	_ =	sdelay $0x1  }
0x38: {  	[tilespmem:s22+$0xFFFFFF80] =	vst v14  }
0x39: {  	v14 =	vld.idx.msk [tilespmem:v17+s2+$0x0], $0xffff;
	_ =	sdelay $0x2  }
0x3a: {  	v23 =	vmul.f32 v15, v5;
	_ =	sdelay $0x1  }
0x3b: {  	v24 =	vmul.f32 v12, v9;
	v25 =	vor.u32 v2, v13;
	v14 =	vadd.f32 v14, v23;
	_ =	sdelay $0x1  }
0x3c: {  	v14 =	vadd.f32 v14, v24;
	_ =	sdelay $0x1  }
0x3d: {  	[tilespmem:s22+$0xFFFFFF90] =	vst v14  }
0x3e: {  	v14 =	vld.idx.msk [tilespmem:v25+s2+$0x0], $0xffff;
	_ =	sdelay $0x2  }
0x3f: {  	v26 =	vmul.f32 v15, v6;
	_ =	sdelay $0x1  }
0x40: {  	v27 =	vmul.f32 v12, v10;
	v13 =	vor.u32 v3, v13;
	v14 =	vadd.f32 v14, v26;
	_ =	sdelay $0x1  }
0x41: {  	v14 =	vadd.f32 v14, v27;
	_ =	sdelay $0x1  }
0x42: {  	[tilespmem:s22+$0xFFFFFFA0] =	vst v14  }
0x43: {  	v13 =	vld.idx.msk [tilespmem:v13+s2+$0x0], $0xffff  }
0x44: {  	s23 =	sadd.s32 $0x1, s20  }
0x45: {  	v28 =	vmov s23  }
0x46: {  	v15 =	vmul.f32 v15, v7;
	v14 =	vand.u32 $0xFFFFFFFD, v28  }
0x47: {  	v14 =	vbroadcast v14, $0x0  }
0x48: {  	v12 =	vmul.f32 v12, v11;
	v13 =	vadd.f32 v13, v15;
	_ =	sdelay $0x1  }
0x49: {  	v12 =	vadd.f32 v13, v12;
	_ =	sdelay $0x1  }
0x4a: {  	[tilespmem:s22+$0xFFFFFFB0] =	vst v12  }
0x4b: {  	v12 =	vld.idx.msk [tilespmem:v14+s13+$0x0], $0xffff;
	_ =	sdelay $0x4  }
0x4c: {  	v12 =	vshll.u32 v12, $0x7  }
0x4d: {  	v29 =	vor.u32 v0, v12;
	_ =	sdelay $0x2  }
0x4e: {  	v30 =	vld.idx.msk [tilespmem:v14+s14+$0x0], $0xffff  }
0x4f: {  	v14 =	vld.idx.msk [tilespmem:v14+s15+$0x0], $0xffff  }
0x50: {  	v13 =	vld.idx.msk [tilespmem:v29+s2+$0x0], $0xffff;
	_ =	sdelay $0x2  }
0x51: {  	v31 =	vmul.f32 v30, v4;
	_ =	sdelay $0x1  }
0x52: {  	v32 =	vmul.f32 v14, v8;
	v33 =	vor.u32 v1, v12;
	v13 =	vadd.f32 v13, v31;
	_ =	sdelay $0x1  }
0x53: {  	v13 =	vadd.f32 v13, v32;
	_ =	sdelay $0x1  }
0x54: {  	[tilespmem:s22+$0xFFFFFFC0] =	vst v13  }
0x55: {  	v13 =	vld.idx.msk [tilespmem:v33+s2+$0x0], $0xffff;
	_ =	sdelay $0x2  }
0x56: {  	v34 =	vmul.f32 v30, v5;
	_ =	sdelay $0x1  }
0x57: {  	v35 =	vmul.f32 v14, v9;
	v36 =	vor.u32 v2, v12;
	v13 =	vadd.f32 v13, v34;
	_ =	sdelay $0x1  }
0x58: {  	s31 =	sadd.s32 $0xFFFFFF80, s21;
	v13 =	vadd.f32 v13, v35  }
0x59: {  	s24 =	sor.u32 $0x50, s31  }
0x5a: {  	[tilespmem:s24+$0x1500] =	vst v13  }
0x5b: {  	v13 =	vld.idx.msk [tilespmem:v36+s2+$0x0], $0xffff;
	_ =	sdelay $0x2  }
0x5c: {  	v37 =	vmul.f32 v30, v6;
	_ =	sdelay $0x1  }
0x5d: {  	v38 =	vmul.f32 v14, v10;
	v12 =	vor.u32 v3, v12;
	v13 =	vadd.f32 v13, v37;
	_ =	sdelay $0x1  }
0x5e: {  	v13 =	vadd.f32 v13, v38  }
0x5f: {  	s25 =	sor.u32 $0x60, s31  }
0x60: {  	[tilespmem:s25+$0x1500] =	vst v13  }
0x61: {  	v12 =	vld.idx.msk [tilespmem:v12+s2+$0x0], $0xffff  }
0x62: {  	s26 =	sadd.s32 $0x2, s20  }
0x63: {  	v39 =	vmov s26  }
0x64: {  	v15 =	vmul.f32 v30, v7;
	v13 =	vand.u32 $0xFFFFFFFE, v39  }
0x65: {  	v13 =	vbroadcast v13, $0x0  }
0x66: {  	v14 =	vmul.f32 v14, v11;
	v12 =	vadd.f32 v12, v15;
	_ =	sdelay $0x1  }
0x67: {  	v12 =	vadd.f32 v12, v14  }
0x68: {  	s23 =	sor.u32 $0x70, s31  }
0x69: {  	[tilespmem:s23+$0x1500] =	vst v12  }
0x6a: {  	v12 =	vld.idx.msk [tilespmem:v13+s13+$0x0], $0xffff;
	_ =	sdelay $0x4  }
0x6b: {  	v12 =	vshll.u32 v12, $0x7  }
0x6c: {  	v40 =	vor.u32 v0, v12;
	_ =	sdelay $0x2  }
0x6d: {  	v41 =	vld.idx.msk [tilespmem:v13+s14+$0x0], $0xffff  }
0x6e: {  	v13 =	vld.idx.msk [tilespmem:v13+s15+$0x0], $0xffff  }
0x6f: {  	v14 =	vld.idx.msk [tilespmem:v40+s2+$0x0], $0xffff;
	_ =	sdelay $0x2  }
0x70: {  	v42 =	vmul.f32 v41, v4;
	_ =	sdelay $0x1  }
0x71: {  	v43 =	vmul.f32 v13, v8;
	v44 =	vor.u32 v1, v12;
	v14 =	vadd.f32 v14, v42;
	_ =	sdelay $0x1  }
0x72: {  	v14 =	vadd.f32 v14, v43;
	_ =	sdelay $0x1  }
0x73: {  	[tilespmem:s22+$0x0] =	vst v14  }
0x74: {  	v14 =	vld.idx.msk [tilespmem:v44+s2+$0x0], $0xffff;
	_ =	sdelay $0x2  }
0x75: {  	v45 =	vmul.f32 v41, v5;
	_ =	sdelay $0x1  }
0x76: {  	v46 =	vmul.f32 v13, v9;
	v47 =	vor.u32 v2, v12;
	v14 =	vadd.f32 v14, v45;
	_ =	sdelay $0x1  }
0x77: {  	v14 =	vadd.f32 v14, v46;
	_ =	sdelay $0x1  }
0x78: {  	[tilespmem:s22+$0x10] =	vst v14  }
0x79: {  	v14 =	vld.idx.msk [tilespmem:v47+s2+$0x0], $0xffff;
	_ =	sdelay $0x2  }
0x7a: {  	v48 =	vmul.f32 v41, v6;
	_ =	sdelay $0x1  }
0x7b: {  	v49 =	vmul.f32 v13, v10;
	v12 =	vor.u32 v3, v12;
	v14 =	vadd.f32 v14, v48;
	_ =	sdelay $0x1  }
0x7c: {  	v14 =	vadd.f32 v14, v49;
	_ =	sdelay $0x1  }
0x7d: {  	[tilespmem:s22+$0x20] =	vst v14  }
0x7e: {  	v12 =	vld.idx.msk [tilespmem:v12+s2+$0x0], $0xffff;
	_ =	sdelay $0x2  }
0x7f: {  	v50 =	vmul.f32 v41, v7  }
0x80: {  	s28 =	sadd.s32 $0x3, s20  }
0x81: {  	v51 =	vmov s28;
	v13 =	vmul.f32 v13, v11;
	v12 =	vadd.f32 v12, v50;
	_ =	sdelay $0x1  }
0x82: {  	v12 =	vadd.f32 v12, v13;
	_ =	sdelay $0x1  }
0x83: {  	[tilespmem:s22+$0x30] =	vst v12  }
0x84: {  	v12 =	vld.idx.msk [tilespmem:v51+s13+$0x0], $0xffff;
	_ =	sdelay $0x4  }
0x85: {  	v12 =	vshll.u32 v12, $0x7  }
0x86: {  	v52 =	vor.u32 v0, v12;
	_ =	sdelay $0x2  }
0x87: {  	v53 =	vld.idx.msk [tilespmem:v51+s14+$0x0], $0xffff  }
0x88: {  	v14 =	vld.idx.msk [tilespmem:v51+s15+$0x0], $0xffff  }
0x89: {  	v13 =	vld.idx.msk [tilespmem:v52+s2+$0x0], $0xffff;
	_ =	sdelay $0x2  }
0x8a: {  	v54 =	vmul.f32 v53, v4;
	_ =	sdelay $0x1  }
0x8b: {  	v55 =	vmul.f32 v14, v8;
	v56 =	vor.u32 v1, v12;
	v13 =	vadd.f32 v13, v54;
	_ =	sdelay $0x1  }
0x8c: {  	v13 =	vadd.f32 v13, v55;
	_ =	sdelay $0x1  }
0x8d: {  	[tilespmem:s22+$0x40] =	vst v13  }
0x8e: {  	v13 =	vld.idx.msk [tilespmem:v56+s2+$0x0], $0xffff;
	_ =	sdelay $0x2  }
0x8f: {  	v57 =	vmul.f32 v53, v5;
	_ =	sdelay $0x1  }
0x90: {  	v58 =	vmul.f32 v14, v9;
	v59 =	vor.u32 v2, v12;
	v13 =	vadd.f32 v13, v57;
	_ =	sdelay $0x1  }
0x91: {  	v13 =	vadd.f32 v13, v58  }
0x92: {  	s29 =	sor.u32 $0x50, s21  }
0x93: {  	[tilespmem:s29+$0x1500] =	vst v13  }
0x94: {  	v13 =	vld.idx.msk [tilespmem:v59+s2+$0x0], $0xffff;
	_ =	sdelay $0x2  }
0x95: {  	v60 =	vmul.f32 v53, v6;
	_ =	sdelay $0x1  }
0x96: {  	v61 =	vmul.f32 v14, v10;
	v12 =	vor.u32 v3, v12;
	v13 =	vadd.f32 v13, v60;
	_ =	sdelay $0x1  }
0x97: {  	v13 =	vadd.f32 v13, v61  }
0x98: {  	s30 =	sor.u32 $0x60, s21  }
0x99: {  	[tilespmem:s30+$0x1500] =	vst v13  }
0x9a: {  	v12 =	vld.idx.msk [tilespmem:v12+s2+$0x0], $0xffff;
	_ =	sdelay $0x2  }
0x9b: {  	v62 =	vmul.f32 v53, v7  }
0x9c: {  	p0 =	slt.u32 s20, $0x3FC  }
.Ltmp0:
0x9d: {  	v63 =	vmul.f32 v14, v11;
	v12 =	vadd.f32 v12, v62;
	(pc) =	sbr.rel @p0 .LBB2_3-.Ltmp0, $4  }
0x9e: {  	_ = 	snop  }
0x9f: {  	v12 =	vadd.f32 v12, v63  }
0xa0: {  	s31 =	sor.u32 $0x70, s21  }
0xa1: {  	s20 =	sadd.s32 $0x4, s20;
	s21 =	sadd.s32 $0x100, s21;
	s22 =	sadd.s32 $0x100, s22;
	[tilespmem:s31+$0x1500] =	vst v12  }
0xa2: {  	s18 =	sadd.s32 $0x1, s18  }
0xa3: {  	s19 =	sshll.u32 s19, $0x3;
	p0 =	sne.s32 s18, $0x19  }
.Ltmp1:
0xa4: {  	s19 =	sadd.s32 s1, s19;
	(pc) =	sbr.rel @p0 .LBB2_2-.Ltmp1, $4  }
0xa5: {  	[hbm4b:s19+s2] =	stream.linear.scatter [tilespmem:s16], [sflag:$0x1], $0x10000, $0x38;
	[tilespmem:$0x11500] =	vst v63  }
0xa6: {  	_ =	swait.ge [sflag:s11], $0x10000  }
0xa7: {  	[sflag:s11] =	ssyncset.done $0x0  }
0xa8: {  	[sflag:s11] =	ssyncadd.s32 $0xFFFF0000  }
0xa9: {  	s17 =	sadd.s32 $0x1, s17  }
0xaa: {  	p0 =	sne.s32 s17, s10  }
.Ltmp2:
0xab: {  	_ = 	snop;
	(pc) =	sbr.rel @p0 .LBB2_1-.Ltmp2, $1  }
0xac: {  	_ =	sdelay $0x3  }
0xad: {  	_ =	sfence.sel $0x180000  }
0xae: {  	[bflag:$0x0] =	sbarrier.arrive $0xFFFF  }
0xaf: {  	p0 =	sne.s32 s3, $0x0;
	_ =	strace $0x90000047  }
0xb0: {  	s0 =	sadd.s32 @!p0 $0x100000, s0;
	[bflag:$0x2] =	sbarrier.arrive $0xFFFF  }
0xb1: {  	[sflag:s0] =	ssyncadd.tile.s32 @!p0 $0x1;
	_ =	shalt  }
.Lfunc_end2:
_tile_overlayer_lowered:
.L_overlay_start_2:
0xb2: {  	(tag) =	ssettag $0x2  }
0xb3: {  	s0 =	rddreg [dreg:$0x0];
	s2 =	stileid.u32  }
0xb4: {  	s1 =	rddreg [dreg:$0x1];
	p0 =	sne.s32 s2, $0x0  }
0xb5: {  	s3 =	rddreg [dreg:$0x2];
	[bflag:$0x3] =	sbarrier.arrive $0xFFFF;
	s2 =	simm.s32 @!p0 $0x1C01  }
0xb6: {  	[timem:s3], [sflag:s2] =	dma.local @!p0 [hbm:s0], s1  }
0xb7: {  	s0 =	simm.s32 @!p0 $0x1  }
0xb8: {  	_ =	swait.ge @!p0 [sflag:s0], s1  }
0xb9: {  	s1 =	ssub.s32 @!p0 $0x0, s1;
	[sflag:s0] =	ssyncset.done @!p0 $0x0  }
0xba: {  	[sflag:s0] =	ssyncadd.s32 @!p0 s1  }
0xbb: {  	[bflag:$0x3] =	sbarrier.arrive $0xFFFF  }
0xbc: {  	_ =	shalt  }

// kernel: sparse-core-data-format-call.cloned.1.call-start
scs
called_computation_lowered:
.L_overlay_start_0:
0x0: {  	s2 =	sld [smem:$0x3FD9]  }
0x1: {  	s3 =	sld [smem:$0x3FFE];
	_ =	sdelay $0x1  }
0x2: {  	s1 =	srdreg.scid  }
0x3: {  	s0 =	sand.u32 $0x1, s1  }
0x4: {  	s18 =	sshll.u32 s0, $0xA;
	s2 =	sadd.s32 s3, s2  }
0x5: {  	s2 =	sadd.s32 s2, s18  }
0x6: {  	[smem:$0x3FC2] =	sst s2  }
0x7: {  	_ = 	snop  }
0x8: {  	s2 =	sld [smem:$0x3FD0];
	(tm) =	ssettm $0x1  }
0x9: {  	s19 =	sld [smem:$0x3FFB];
	_ =	sdelay $0x3  }
0xa: {  	_ =	strace s19  }
0xb: {  	s3 =	sld [smem:$0x3FFC];
	_ =	sdelay $0x3  }
0xc: {  	_ =	strace s3  }
0xd: {  	s3 =	sld [smem:$0x3FFD];
	_ =	sdelay $0x3  }
0xe: {  	_ =	strace s3  }
0xf: {  	_ =	strace $0x8FFFFFFF  }
0x10: {  	s20 =	sld [smem:$0x3FDB];
	_ =	sdelay $0x1  }
0x11: {  	s4 =	simm.s32 $_scs_section_size  }
0x12: {  	s5 =	simm.s32 $_size__tile_overlayer_lowered;
	s6 =	simm.s32 $_tile_overlayer_lowered  }
0x13: {  	s23 =	simm.s32 $0x1BFF;
	s22 =	sshll.u32 s6, $0x1;
	s3 =	sadd.s32 s4, s20  }
0x14: {  	s7 =	simm.s32 $0x0;
	s21 =	sshll.u32 s5, $0x1;
	s5 =	sadd.s32 s22, s3  }
0x15: {  	[timem:s7], [sflag:s23] =	dma.local [hbm:s5], s21  }
0x16: {  	_ =	swait.ge [sflag:s23], s21  }
0x17: {  	s4 =	ssub.s32 $0x0, s21;
	[sflag:s23] =	ssyncset.done $0x0  }
0x18: {  	[sflag:s23] =	ssyncadd.s32 s4;
	_ =	sdelay $0x1  }
0x19: {  	s24 =	simm.s32 $0x1B8B  }
0x1a: {  	_ =	swait.ge [sflag:s24], $0x1  }
0x1b: {  	[sflag:s24] =	ssyncset.done $0x0  }
0x1c: {  	s26 =	simm.s32 $0x1B8E;
	s25 =	sld [smem:$0x3FFE];
	[sflag:s24] =	ssyncadd.s32 $0xFFFFFFFF  }
0x1d: {  	s27 =	simm.s32 $execute0_lowered;
	[smem:$0x3FD2] =	sst s26  }
0x1e: {  	s5 =	sshll.u32 s27, $0x1;
	_ =	strace $0x80000049;
	[dreg:$0x1] =	wrdreg $0xFFFFFFFF  }
0x1f: {  	s28 =	simm.s32 $_size_execute0_lowered;
	s3 =	sadd.s32 s3, s5;
	[dreg:$0x0] =	wrdreg $0x0  }
0x20: {  	s5 =	sshll.u32 s28, $0x1;
	[dreg:$0x2] =	wrdreg s3  }
0x21: {  	[dreg:$0x3] =	wrdreg s5  }
0x22: {  	[dreg:$0x4] =	wrdreg $0xC0  }
0x23: {  	_ =	task [dreg:s7], $0x5FFFF  }
0x24: {  	[dreg:$0x1] =	wrdreg $0xFFFFFFFF  }
0x25: {  	[dreg:$0x0] =	wrdreg $0x60  }
0x26: {  	[dreg:$0x2] =	wrdreg s25  }
0x27: {  	[dreg:$0x3] =	wrdreg s2  }
0x28: {  	[dreg:$0x4] =	wrdreg $0x9  }
0x29: {  	_ =	task.clear_ibuf [dreg:s7], $0x5FFFF;
	_ =	strace $0x90000049  }
0x2a: {  	s29 =	simm.s32 $0x9;
	_ =	strace $0x8000004B  }
0x2b: {  	_ =	swait.ge [sflag:s29], $0x1  }
0x2c: {  	[sflag:s29] =	ssyncadd.s32 $0xFFFFFFFF  }
0x2d: {  	_ =	strace $0x9000004B  }
0x2e: {  	_ =	sfence  }
0x2f: {  	s30 =	sld [smem:$0x0];
	_ =	sdelay $0x2  }
0x30: {  	s31 =	sshll.u32 s1, $0xD;
	s1 =	sshrl.u32 s1, $0x2  }
0x31: {  	s3 =	sand.u32 $0x4000, s31;
	s1 =	sadd.s32 s1, s30  }
0x32: {  	s0 =	sor.u32 s3, s0;
	s1 =	sshll.u32 s1, $0x11  }
0x33: {  	s0 =	sor.u32 s1, s0  }
0x34: {  	s0 =	sadd.s32 $0x8F2B, s0  }
0x35: {  	[sflag:s0] =	ssyncadd.remote.s32 $0x1  }
0x36: {  	_ =	sfence.sel $0xFFFF  }
0x37: {  	[dreg:$0x0] =	wrdreg $0xFFFFFFFF;
	(pc) =	sbr.abs _section_cstart, $3  }
0x38: {  	[dreg:$0x1] =	wrdreg $0xFFFFFFFF  }
0x39: {  	_ =	task.clear_ibuf [dreg:s7], $0x2FFFF;
	_ =	strace $0x9FFFFFFF  }
0x3a: {  	(tm) =	ssettm $0x7FFFFFFF  }
0x3b: {  	_ =	shalt  }
tec
execute0_lowered:
.L_overlay_start_1:
0x0: {  	(tag) =	ssettag $0x1  }
0x1: {  	s0 =	srdreg.scid  }
0x2: {  	s1 =	sshll.u32 s0, $0x4  }
0x3: {  	s0 =	stileid.u32;
	s1 =	sand.u32 $0x10, s1  }
0x4: {  	s1 =	sor.u32 s0, s1  }
0x5: {  	s6 =	rddreg [dreg:$0x0];
	s4 =	simm.s32 $0x1;
	s2 =	sshll.u32 s1, $0x7  }
0x6: {  	s7 =	simm.s32 $0x2;
	s12 =	simm.s32 $0x0;
	s1 =	ssub.s32 $0x1000, s2  }
0x7: {  	s8 =	simm.s32 $0x8000;
	s13 =	simm.s32 $0x0;
	s3 =	sand.u32 $0xF80, s1  }
0x8: {  	s9 =	simm.s32 $0x0;
	s5 =	sshrl.u32 s1, $0xC;
	p0 =	sne.s32 s3, $0x0  }
.Ltmp0:
0x9: {  	s1 =	rddreg [dreg:$0x2];
	s4 =	simm.s32 @!p0 $0x0;
	(pc) =	sbr.rel .LBB1_1-.Ltmp0, $4  }
0xa: {  	s11 =	simm.s32 $0x0;
	s3 =	rddreg [dreg:$0x1];
	s5 =	sadd.s32 s4, s5  }
0xb: {  	_ =	strace $0x8000004A;
	s4 =	simm.s32 $0x1;
	s5 =	smul.u32 $0xC8, s5  }
0xc: {  	s6 =	sadd.s32 $0x1400, s6;
	s10 =	smov.u32 s2;
	[sflag:s4] =	ssyncpa.u1 $0x0  }
0xd: {  	p0 =	por $0x0, $0x0;
	[sflag:s7] =	ssyncpa.u1 $0x0;
	s7 =	sor.u32 $0x1, s5  }
.LBB1_4:
0xe: {  	s16 =	sshll.u32 s13, $0x3;
	s17 =	sand.u32 $0x78, s13  }
0xf: {  	s30 =	sand.u32 $0x7E00, s13;
	s12 =	sshll.u32 s12, $0xF;
	s16 =	sand.u32 $0xC00, s16  }
0x10: {  	[tilespmem:s15+$0x810 ss:$0x81] =	vst.msk $0xffff, v2;
	s31 =	sand.u32 $0x7, s13;
	s16 =	sor.u32 s17, s16;
	s17 =	sadd.s32 s3, s30  }
0x11: {  	[tilespmem:s15+$0x1020 ss:$0x81] =	vst.msk $0xffff, v0;
	s13 =	sshll.u32 s31, $0x12;
	s12 =	sadd.s32 s12, s17;
	s16 =	sshrl.u32 s16, $0x3  }
0x12: {  	[tilespmem:s15+$0x0 ss:$0x81] =	vst.msk $0xffff, v1;
	s13 =	sor.u32 $0x400, s13;
	s12 =	sadd.s32 s16, s12  }
0x13: {  	[hbm4b:s12+s13] =	stream.strided.scatter [tilespmem:s14], [sflag:$0x2], $0x2000, s8, s13, $0x20;
	[tilespmem:$0x8080] =	vst v63  }
.LBB1_5:
0x14: {  	s14 =	sadd.s32 $0x1, s9  }
0x15: {  	s12 =	sadd.s32 $0x1000, s10;
	s16 =	smov.u32 s10;
	p2 =	sgt.s32 s14, $0xC7  }
0x16: {  	s16 =	smov.u32 @p2 s12  }
0x17: {  	s14 =	simm.s32 @p2 $0x0;
	p2 =	sgt.s32 s16, $0xFFF  }
0x18: {  	s16 =	smov.u32 @p2 s2;
	p2 =	sne.s32 s11, s7  }
.Ltmp1:
0x19: {  	p1 =	slt.u32 s11, $0x2;
	(pc) =	sbr.rel @!p2 .LBB1_6-.Ltmp1, $4  }
0x1a: {  	s15 =	simm.s32 @!p1 $0x2  }
0x1b: {  	s13 =	smov.u32 s10;
	p0 =	por !p0, !p0;
	_ =	swait.ge @!p1 [sflag:s15], $0x2000  }
0x1c: {  	s12 =	smov.u32 s9;
	[sflag:s15] =	ssyncset.done @!p1 $0x0;
	s9 =	smov.u32 s14  }
0x1d: {  	s11 =	sadd.s32 $0x1, s11;
	[sflag:s15] =	ssyncadd.s32 @!p1 $0xFFFFE000;
	s10 =	smov.u32 s16  }
.LBB1_1:
0x1e: {  	p1 =	sge.u32 s11, s5  }
0x1f: {  	s14 =	sand.u32 @!p1 $0x1FFFFFF, s9  }
0x20: {  	s15 =	smulhi.u32 @!p1 $0x147AE15, s14;
	_ =	sdelay $0x1  }
0x21: {  	s15 =	smul.u32 @!p1 $0xC8, s15  }
0x22: {  	s16 =	sxor.u32 @!p1 $0xFFFFFFFF, s11;
	s17 =	smul.u32 @!p1 $0xC80, s10  }
0x23: {  	s31 =	sadd.s32 $0xFFFFFFFF, s11;
	s16 =	sshll.u32 @!p1 s16, $0xD;
	s14 =	ssub.s32 @!p1 s14, s15  }
0x24: {  	s15 =	sand.u32 @!p1 $0x2000, s16;
	s16 =	sadd.s32 @!p1 s6, s17;
	s14 =	sshll.u32 @!p1 s14, $0x4  }
0x25: {  	s17 =	simm.s32 @!p1 $0x6400;
	s14 =	sadd.s32 @!p1 s14, s16;
	s16 =	simm.s32 @!p1 $0x40  }
0x26: {  	[tilespmem:s15], [sflag:$0x1] =	stream.strided.gather @!p1 [hbm4b:s14+s16], $0x2000, s17, s16, $0x38;
	[tilespmem:$0x8080] =	vst v63  }
0x27: {  	p1 =	sge.u32 s31, s5  }
.Ltmp2:
0x28: {  	_ = 	snop;
	(pc) =	sbr.rel @p1 .LBB1_5-.Ltmp2, $1  }
0x29: {  	_ =	sdelay $0x3  }
0x2a: {  	s14 =	simm.s32 $0x1  }
0x2b: {  	_ =	swait.ge [sflag:s4], $0x2000;
	s14 =	simm.s32 @!p0 $0x0  }
0x2c: {  	[sflag:s4] =	ssyncset.done $0x0;
	s15 =	sshll.u32 s14, $0xD  }
0x2d: {  	[sflag:s4] =	ssyncadd.s32 $0xFFFFE000;
	s18 =	sor.u32 $0x20, s15  }
0x2e: {  	s14 =	smul.u32 $0x8100, s14;
	v3 =	vld [tilespmem:s18+$0x10]  }
0x2f: {  	s30 =	sand.u32 $0x1, s11;
	v2 =	vld [tilespmem:s18+$0xFFFFFFF0]  }
0x30: {  	s15 =	smul.u32 $0x8100, s30;
	s14 =	sshrl.u32 s14, $0x2;
	v0 =	vld [tilespmem:s18+$0x0]  }
0x31: {  	v1 =	vld [tilespmem:s18+$0xFFFFFFE0];
	s16 =	sor.u32 $0x4000, s14  }
0x32: {  	s31 =	sshrl.u32 s15, $0x2;
	s15 =	sadd.s32 $0x0, s16  }
0x33: {  	s17 =	simm.s32 $0x4;
	s18 =	sadd.s32 $0x40, s18;
	s14 =	sor.u32 $0x4000, s31;
	[tilespmem:s15+$0x1830 ss:$0x81] =	vst.msk $0xffff, v3  }
.LBB1_3:
0x34: {  	v3 =	vld [tilespmem:s18+$0x10];
	p1 =	sne.s32 s17, $0x1FC;
	[tilespmem:s15+$0x810 ss:$0x81] =	vst.msk $0xffff, v2;
	s19 =	smov.u32 s17;
	s17 =	sadd.s32 $0x4, s17  }
.Ltmp3:
0x35: {  	v2 =	vld [tilespmem:s18+$0xFFFFFFF0];
	[tilespmem:s15+$0x1020 ss:$0x81] =	vst.msk $0xffff, v0;
	(pc) =	sbr.rel @p1 .LBB1_3-.Ltmp3, $4  }
0x36: {  	v0 =	vld [tilespmem:s18+$0x0];
	[tilespmem:s15+$0x0 ss:$0x81] =	vst.msk $0xffff, v1  }
0x37: {  	s15 =	sshra.s32 s19, $0x2;
	v1 =	vld [tilespmem:s18+$0xFFFFFFE0]  }
0x38: {  	s15 =	sadd.s32 s15, s16  }
0x39: {  	s18 =	sadd.s32 $0x40, s18;
	[tilespmem:s15+$0x1830 ss:$0x81] =	vst.msk $0xffff, v3  }
.Ltmp4:
0x3a: {  	_ = 	snop;
	(pc) =	sbr.rel .LBB1_4-.Ltmp4, $1  }
0x3b: {  	_ =	sdelay $0x3  }
.LBB1_6:
0x3c: {  	_ =	sfence.sel $0x180000  }
0x3d: {  	s2 =	simm.s32 $0x1;
	[bflag:$0x0] =	sbarrier.arrive $0xFFFF  }
0x3e: {  	s31 =	simm.s32 $0x2;
	[sflag:s2] =	ssyncpa.u1 $0x1  }
0x3f: {  	[sflag:s31] =	ssyncpa.u1 $0x1  }
0x40: {  	p0 =	sne.s32 s0, $0x0;
	_ =	strace $0x9000004A  }
0x41: {  	s0 =	sadd.s32 @!p0 $0x100000, s1;
	[bflag:$0x2] =	sbarrier.arrive $0xFFFF  }
0x42: {  	[sflag:s0] =	ssyncadd.tile.s32 @!p0 $0x1;
	_ =	shalt  }
.Lfunc_end1:
_tile_overlayer_lowered:
.L_overlay_start_2:
0x43: {  	(tag) =	ssettag $0x2  }
0x44: {  	s0 =	rddreg [dreg:$0x0];
	s2 =	stileid.u32  }
0x45: {  	s1 =	rddreg [dreg:$0x1];
	p0 =	sne.s32 s2, $0x0  }
0x46: {  	s3 =	rddreg [dreg:$0x2];
	[bflag:$0x3] =	sbarrier.arrive $0xFFFF;
	s2 =	simm.s32 @!p0 $0x1C01  }
0x47: {  	[timem:s3], [sflag:s2] =	dma.local @!p0 [hbm:s0], s1  }
0x48: {  	s0 =	simm.s32 @!p0 $0x1  }
0x49: {  	_ =	swait.ge @!p0 [sflag:s0], s1  }
0x4a: {  	s1 =	ssub.s32 @!p0 $0x0, s1;
	[sflag:s0] =	ssyncset.done @!p0 $0x0  }
0x4b: {  	[sflag:s0] =	ssyncadd.s32 @!p0 s1  }
0x4c: {  	[bflag:$0x3] =	sbarrier.arrive $0xFFFF  }
0x4d: {  	_ =	shalt  }

</sc_bundles>
